<compile_context>
chip_gen: v7x
topology: tpu7x:2x2x1
jax: 0.10.2.dev20260603
libtpu: 0.0.44.dev20260713+nightly
codegen_flags: <defaults>
</compile_context>

<pallas_src>
import functools

import jax
import jax.numpy as jnp
from jax import lax
from jax.experimental import pallas as pl
from jax.experimental.pallas import tpu as pltpu
from jax.experimental.pallas import tpu_sc as plsc

B, L, D = 4096, 50, 64
NT = 100000

NC, NS = 2, 16
NW = NC * NS

HB = 2048
RV = HB * L
RV_PER_W = RV // NW
CH = 128
N_CH = RV_PER_W // CH
UB_PER_W = HB // NW

BT = 128
GB = HB // BT

RT = 8192
GT = (NT + RT - 1) // RT


def _pre_body(vt_ref, ut_ref, w1a_ref, a1b_ref, ab1_ref, out_ref):
    f32 = jnp.float32
    bf16 = jnp.bfloat16
    dn = (((0,), (0,)), ((), ()))
    x1 = lax.dot_general(vt_ref[...].astype(bf16), w1a_ref[...], dn,
                         preferred_element_type=f32)
    ut = lax.dot_general(ut_ref[...].astype(bf16), a1b_ref[...], dn,
                         preferred_element_type=f32) + ab1_ref[...]
    out_ref[...] = jnp.concatenate([x1, ut], axis=1)


def _pre_table(v2e_t, u2e_t, w1a_bf, a1b_bf, ab1):
    return pl.pallas_call(
        _pre_body,
        grid=(GT,),
        in_specs=[
            pl.BlockSpec((D, RT), lambda i: (0, i)),
            pl.BlockSpec((D, RT), lambda i: (0, i)),
            pl.BlockSpec((D, D), lambda i: (0, 0)),
            pl.BlockSpec((D, D), lambda i: (0, 0)),
            pl.BlockSpec((1, D), lambda i: (0, 0)),
        ],
        out_specs=pl.BlockSpec((RT, 2 * D), lambda i: (i, 0)),
        out_shape=jax.ShapeDtypeStruct((NT, 2 * D), jnp.float32),
    )(v2e_t, u2e_t, w1a_bf, a1b_bf, ab1)


def _sc_gather(ct, vidx, nidx):
    mesh = plsc.VectorSubcoreMesh(core_axis_name="c", subcore_axis_name="s")

    @functools.partial(
        pl.kernel,
        mesh=mesh,
        out_type=(
            jax.ShapeDtypeStruct((RV, 2 * D), jnp.float32),
            jax.ShapeDtypeStruct((HB, 2 * D), jnp.float32),
        ),
        scratch_types=[
            pltpu.VMEM((RV_PER_W,), jnp.int32),
            pltpu.VMEM((UB_PER_W,), jnp.int32),
            pltpu.VMEM((CH, 2 * D), jnp.float32),
            pltpu.VMEM((CH, 2 * D), jnp.float32),
            pltpu.VMEM((UB_PER_W, 2 * D), jnp.float32),
            pltpu.SemaphoreType.DMA,
            pltpu.SemaphoreType.DMA,
            pltpu.SemaphoreType.DMA,
            pltpu.SemaphoreType.DMA,
            pltpu.SemaphoreType.DMA,
        ],
    )
    def k(ct_hbm, vidx_hbm, nidx_hbm, euv_out, uv_out,
          vidx_v, nidx_v, rows0, rows1, urows,
          sg0, sg1, sw0, sw1, su):
        wid = lax.axis_index("s") * NC + lax.axis_index("c")
        base = wid * RV_PER_W
        pltpu.sync_copy(vidx_hbm.at[pl.ds(base, RV_PER_W)], vidx_v)

        ubase = wid * UB_PER_W
        pltpu.sync_copy(nidx_hbm.at[pl.ds(ubase, UB_PER_W)], nidx_v)
        pltpu.async_copy(ct_hbm.at[nidx_v], urows, su)

        def start_g(c, rows, sem):
            pltpu.async_copy(
                ct_hbm.at[vidx_v.at[pl.ds(c * CH, CH)]], rows, sem)

        def wait_g(c, rows, sem):
            pltpu.make_async_copy(
                ct_hbm.at[vidx_v.at[pl.ds(c * CH, CH)]], rows, sem).wait()

        def start_w(c, rows, sem):
            pltpu.async_copy(
                rows, euv_out.at[pl.ds(base + c * CH, CH)], sem)

        def wait_w(c, rows, sem):
            pltpu.make_async_copy(
                rows, euv_out.at[pl.ds(base + c * CH, CH)], sem).wait()

        start_g(0, rows0, sg0)

        def body(i, carry):
            c0 = 2 * i
            c1 = c0 + 1
            wait_g(c0, rows0, sg0)

            @pl.when(i > 0)
            def _():
                wait_w(c1 - 2, rows1, sw1)

            start_g(c1, rows1, sg1)
            start_w(c0, rows0, sw0)

            @pl.when(i < N_CH // 2 - 1)
            def _():
                wait_w(c0, rows0, sw0)
                start_g(c0 + 2, rows0, sg0)

            wait_g(c1, rows1, sg1)
            start_w(c1, rows1, sw1)
            return carry

        lax.fori_loop(0, N_CH // 2, body, 0)
        if N_CH % 2:
            wait_w(N_CH - 3, rows0, sw0)
            start_g(N_CH - 1, rows0, sg0)
            wait_g(N_CH - 1, rows0, sg0)
            start_w(N_CH - 1, rows0, sw0)
            wait_w(N_CH - 1, rows0, sw0)
            wait_w(N_CH - 2, rows1, sw1)
        else:
            wait_w(N_CH - 2, rows0, sw0)
            wait_w(N_CH - 1, rows1, sw1)

        pltpu.make_async_copy(ct_hbm.at[nidx_v], urows, su).wait()
        pltpu.sync_copy(urows, uv_out.at[pl.ds(ubase, UB_PER_W)])

    return k(ct, vidx, nidx)


def _tc_body(euv_ref, uv_ref, roh_ref, r2e_ref,
             w1b_ref, b1_ref, w2_ref, b2_ref,
             a1a_ref, a2_ref, ab2_ref,
             a3_ref, ab3_ref, out_ref):
    f32 = jnp.float32
    bf16 = jnp.bfloat16
    mm = lambda a, b: jnp.dot(a, b, preferred_element_type=f32).astype(bf16)
    zero = jnp.array(0.0, bf16)
    blk = euv_ref[...]
    x1 = blk[:, :, :D].reshape(L * BT, D).astype(bf16)
    rt = (jnp.dot(r2e_ref[...], w1b_ref[...],
                  preferred_element_type=f32) + b1_ref[...]).astype(bf16)
    oh = roh_ref[...].reshape(L * BT, 8).astype(bf16)
    x = jnp.maximum(x1 + mm(oh, rt), zero)
    o = jnp.maximum(mm(x, w2_ref[...]) + b2_ref[...], zero)
    u_term = uv_ref[...][:, D:].astype(bf16)
    u_rep = jnp.broadcast_to(u_term[None], (L, BT, D)).reshape(L * BT, D)
    a1 = jnp.maximum(mm(o, a1a_ref[...]) + u_rep, zero)
    a2 = jnp.maximum(mm(a1, a2_ref[...]) + ab2_ref[...], zero)
    logits = jnp.sum((a2 * a3_ref[...]).astype(f32), axis=1,
                     keepdims=True) + ab3_ref[...]
    l3 = logits.reshape(L, BT, 1)
    m = jnp.max(l3, axis=0)
    e3 = jnp.exp(l3 - m[None])
    s = jnp.sum(e3, axis=0)
    o3 = o.reshape(L, BT, D).astype(f32)
    out_ref[...] = jnp.sum(o3 * e3, axis=0) / s


def _tc_dense(euv3, uv, roh, r2e_pad, w1b_t, b1r, w2_t, b2r,
              a1a_t, a2_t, ab2r, a3r, ab3r):
    full = lambda shape: pl.BlockSpec(shape, lambda i: tuple(0 for _ in shape))
    return pl.pallas_call(
        _tc_body,
        grid=(GB,),
        in_specs=[
            pl.BlockSpec((L, BT, 2 * D), lambda i: (0, i, 0)),
            pl.BlockSpec((BT, 2 * D), lambda i: (i, 0)),
            pl.BlockSpec((L, BT, 8), lambda i: (0, i, 0)),
            full((8, D)),
            full((D, D)), full((1, D)),
            full((D, D)), full((1, D)),
            full((D, D)),
            full((D, D)), full((1, D)),
            full((1, D)), full((1, 1)),
        ],
        out_specs=pl.BlockSpec((BT, D), lambda i: (i, 0)),
        out_shape=jax.ShapeDtypeStruct((HB, D), jnp.float32),
    )(euv3, uv, roh, r2e_pad, w1b_t, b1r, w2_t, b2r, a1a_t, a2_t, ab2r,
      a3r, ab3r)


def kernel(nodes, history_uv, history_r, u2e, v2e, r2e,
           w_r1_w, w_r1_b, w_r2_w, w_r2_b,
           att1_w, att1_b, att2_w, att2_b, att3_w, att3_b):
    f32 = jnp.float32
    bf16 = jnp.bfloat16

    ct = _pre_table(v2e.T, u2e.T,
                    w_r1_w[:, :D].T.astype(bf16),
                    att1_w[:, D:].T.astype(bf16),
                    att1_b.reshape(1, D))

    r2e_pad = jnp.pad(r2e, ((0, 3), (0, 0)))
    outs = []
    for h in range(B // HB):
        sl = slice(h * HB, (h + 1) * HB)
        vidx = history_uv[sl].T.reshape(-1).astype(jnp.int32)
        nidx = nodes[sl].astype(jnp.int32)
        roh = jax.nn.one_hot(history_r[sl].T, 8, dtype=jnp.int8)
        euv_flat, uv = _sc_gather(ct, vidx, nidx)
        outs.append(_tc_dense(
            euv_flat.reshape(L, HB, 2 * D), uv, roh, r2e_pad,
            w_r1_w[:, D:].T, w_r1_b.reshape(1, D),
            w_r2_w.T.astype(bf16), w_r2_b.reshape(1, D).astype(bf16),
            att1_w[:, :D].T.astype(bf16),
            att2_w.T.astype(bf16), att2_b.reshape(1, D).astype(bf16),
            att3_w.astype(bf16), att3_b.reshape(1, 1),
        ))
    return jnp.concatenate(outs, axis=0)

# --- scband reference (transcript-rebuilt; emitter-appended) ---
"""Pipeline reference for scband-uv-aggregator-19061064860210 (READ-ONLY COPY).

The authoritative reference and input builder live on the scoring server;
editing this copy changes nothing except your own understanding.
"""

import jax, jax.numpy as jnp
import numpy as np

B, L, D = 4096, 50, 64
N_USERS = 100000
N_ITEMS = 100000
N_RATINGS = 5


def setup_inputs(seed: int = 0) -> dict:
    key = jax.random.key(seed)
    ks = jax.random.split(key, 16)
    inp = {}
    inp["nodes"] = jax.random.randint(ks[0], (B,), 0, N_USERS, dtype=jnp.int64 if jax.config.jax_enable_x64 else jnp.int32)
    inp["history_uv"] = jax.random.randint(ks[1], (B, L), 0, N_ITEMS, dtype=jnp.int64 if jax.config.jax_enable_x64 else jnp.int32)
    inp["history_r"] = jax.random.randint(ks[2], (B, L), 0, N_RATINGS, dtype=jnp.int64 if jax.config.jax_enable_x64 else jnp.int32)
    # learned parameters (embedding tables + linear/attention weights)
    inp["u2e"] = jax.random.normal(ks[3], (N_USERS, D), dtype=jnp.float32) * 0.1
    inp["v2e"] = jax.random.normal(ks[4], (N_ITEMS, D), dtype=jnp.float32) * 0.1
    inp["r2e"] = jax.random.normal(ks[5], (N_RATINGS, D), dtype=jnp.float32) * 0.1
    s1 = float(1.0 / np.sqrt(2 * D))
    s2 = float(1.0 / np.sqrt(D))
    inp["w_r1_w"] = jax.random.uniform(ks[6], (D, 2 * D), minval=-s1, maxval=s1, dtype=jnp.float32)
    inp["w_r1_b"] = jax.random.uniform(ks[7], (D,), minval=-s1, maxval=s1, dtype=jnp.float32)
    inp["w_r2_w"] = jax.random.uniform(ks[8], (D, D), minval=-s2, maxval=s2, dtype=jnp.float32)
    inp["w_r2_b"] = jax.random.uniform(ks[9], (D,), minval=-s2, maxval=s2, dtype=jnp.float32)
    inp["att1_w"] = jax.random.uniform(ks[10], (D, 2 * D), minval=-s1, maxval=s1, dtype=jnp.float32)
    inp["att1_b"] = jax.random.uniform(ks[11], (D,), minval=-s1, maxval=s1, dtype=jnp.float32)
    inp["att2_w"] = jax.random.uniform(ks[12], (D, D), minval=-s2, maxval=s2, dtype=jnp.float32)
    inp["att2_b"] = jax.random.uniform(ks[13], (D,), minval=-s2, maxval=s2, dtype=jnp.float32)
    inp["att3_w"] = jax.random.uniform(ks[14], (1, D), minval=-s2, maxval=s2, dtype=jnp.float32)
    inp["att3_b"] = jax.random.uniform(ks[15], (1,), minval=-s2, maxval=s2, dtype=jnp.float32)
    return inp


def reference(nodes, history_uv, history_r, u2e, v2e, r2e,
              w_r1_w, w_r1_b, w_r2_w, w_r2_b,
              att1_w, att1_b, att2_w, att2_b, att3_w, att3_b):
    # Vectorized, mathematically faithful version of the per-node loop
    # (uv=True branch; every node has exactly L history items).
    e_uv = jnp.take(v2e, history_uv, axis=0)          # [B, L, D] item gather
    uv_rep = jnp.take(u2e, nodes, axis=0)             # [B, D]   user gather
    e_r = jnp.take(r2e, history_r, axis=0)            # [B, L, D] rating gather
    x = jnp.concatenate([e_uv, e_r], axis=-1)         # [B, L, 2D]
    x = jax.nn.relu(jnp.einsum('bld,od->blo', x, w_r1_w) + w_r1_b)
    o_history = jax.nn.relu(jnp.einsum('bld,od->blo', x, w_r2_w) + w_r2_b)  # [B, L, D]
    # Attention(o_history, uv_rep, L): MLP -> softmax over history dim
    uv_exp = jnp.broadcast_to(uv_rep[:, None, :], o_history.shape)
    a = jnp.concatenate([o_history, uv_exp], axis=-1)  # [B, L, 2D]
    a = jax.nn.relu(jnp.einsum('bld,od->blo', a, att1_w) + att1_b)
    a = jax.nn.relu(jnp.einsum('bld,od->blo', a, att2_w) + att2_b)
    a = jnp.einsum('bld,od->blo', a, att3_w) + att3_b  # [B, L, 1]
    att_w = jax.nn.softmax(a, axis=1)                  # softmax over history items
    # att_history = o_history^T @ att_w per node, transposed -> weighted sum
    embed_matrix = jnp.sum(o_history * att_w, axis=1)  # [B, D]
    return embed_matrix

if __name__ == "__main__":
    import jax
    _d = setup_inputs()
    print(jax.jit(kernel)(*tuple(_d.values())))

</pallas_src>

<mosaic_0001>
#map = affine_map<(d0, d1) -> (0, 0)>
#map1 = affine_map<(d0, d1) -> (0)>
module attributes {stable_mosaic.version = 14 : i64} {
  func.func @k(%arg0: i32, %arg1: i32, %arg2: memref<100000x128xf32, #tpu.memory_space<hbm>>, %arg3: memref<102400xi32, #tpu.memory_space<hbm>>, %arg4: memref<2048xi32, #tpu.memory_space<hbm>>, %arg5: memref<102400x128xf32, #tpu.memory_space<hbm>>, %arg6: memref<2048x128xf32, #tpu.memory_space<hbm>>, %arg7: memref<3200xi32, #tpu.memory_space<vmem>>, %arg8: memref<64xi32, #tpu.memory_space<vmem>>, %arg9: memref<128x128xf32, #tpu.memory_space<vmem>>, %arg10: memref<128x128xf32, #tpu.memory_space<vmem>>, %arg11: memref<64x128xf32, #tpu.memory_space<vmem>>, %arg12: memref<!tpu.dma_semaphore, #tpu.memory_space<semaphore_mem>>, %arg13: memref<!tpu.dma_semaphore, #tpu.memory_space<semaphore_mem>>, %arg14: memref<!tpu.dma_semaphore, #tpu.memory_space<semaphore_mem>>, %arg15: memref<!tpu.dma_semaphore, #tpu.memory_space<semaphore_mem>>, %arg16: memref<!tpu.dma_semaphore, #tpu.memory_space<semaphore_mem>>) attributes {dimension_semantics = [#tpu.dimension_semantics<core_parallel>, #tpu.dimension_semantics<subcore_parallel>], iteration_bounds = array<i64: 2, 16>, scalar_prefetch = 0 : i64, scratch_operands = 10 : i64, tpu.core_type = #tpu.core_type<sc_vector_subcore>, window_params = [{transform_indices = #map}, {transform_indices = #map1}, {transform_indices = #map1}, {transform_indices = #map}, {transform_indices = #map}]} {
    %mul3A = arith.constant 2 : i32
    %mul3A_0 = arith.muli %arg1, %mul3A : i32
    %add3A = arith.addi %mul3A_0, %arg0 : i32
    %mul3A_1 = arith.constant 3200 : i32
    %mul3A_2 = arith.muli %add3A, %mul3A_1 : i32
    "tpu.region"() ({
      %run_scoped3A = tpu.sem_alloc : memref<!tpu.dma_semaphore, #tpu.memory_space<semaphore_mem>>
      %dma_start3A_53 = tpu.memref_slice %arg3[%mul3A_2] : memref<102400xi32, #tpu.memory_space<hbm>> -> memref<3200xi32, #tpu.memory_space<hbm>>
      %dma_start3A_54 = tpu.memref_slice %arg3[%mul3A_2] : memref<102400xi32, #tpu.memory_space<hbm>> -> memref<3200xi32, #tpu.memory_space<hbm>>
      tpu.enqueue_dma source(%dma_start3A_54 : memref<3200xi32, #tpu.memory_space<hbm>>) target(%arg7 : memref<3200xi32, #tpu.memory_space<vmem>>) target_semaphore(%run_scoped3A : memref<!tpu.dma_semaphore, #tpu.memory_space<semaphore_mem>>)
      %dma_wait3A_55 = tpu.memref_slice %arg3[%mul3A_2] : memref<102400xi32, #tpu.memory_space<hbm>> -> memref<3200xi32, #tpu.memory_space<hbm>>
      %dma_wait3A_56 = tpu.memref_slice %arg3[%mul3A_2] : memref<102400xi32, #tpu.memory_space<hbm>> -> memref<3200xi32, #tpu.memory_space<hbm>>
      tpu.wait_dma2 semaphore(%run_scoped3A : memref<!tpu.dma_semaphore, #tpu.memory_space<semaphore_mem>>) src(%dma_wait3A_56 : memref<3200xi32, #tpu.memory_space<hbm>>) dst(%arg7 : memref<3200xi32, #tpu.memory_space<vmem>>)
      tpu.yield
    }) : () -> ()
    %mul3A_3 = arith.constant 64 : i32
    %mul3A_4 = arith.muli %add3A, %mul3A_3 : i32
    "tpu.region"() ({
      %run_scoped3A = tpu.sem_alloc : memref<!tpu.dma_semaphore, #tpu.memory_space<semaphore_mem>>
      %dma_start3A_53 = tpu.memref_slice %arg4[%mul3A_4] : memref<2048xi32, #tpu.memory_space<hbm>> -> memref<64xi32, #tpu.memory_space<hbm>>
      %dma_start3A_54 = tpu.memref_slice %arg4[%mul3A_4] : memref<2048xi32, #tpu.memory_space<hbm>> -> memref<64xi32, #tpu.memory_space<hbm>>
      tpu.enqueue_dma source(%dma_start3A_54 : memref<64xi32, #tpu.memory_space<hbm>>) target(%arg8 : memref<64xi32, #tpu.memory_space<vmem>>) target_semaphore(%run_scoped3A : memref<!tpu.dma_semaphore, #tpu.memory_space<semaphore_mem>>)
      %dma_wait3A_55 = tpu.memref_slice %arg4[%mul3A_4] : memref<2048xi32, #tpu.memory_space<hbm>> -> memref<64xi32, #tpu.memory_space<hbm>>
      %dma_wait3A_56 = tpu.memref_slice %arg4[%mul3A_4] : memref<2048xi32, #tpu.memory_space<hbm>> -> memref<64xi32, #tpu.memory_space<hbm>>
      tpu.wait_dma2 semaphore(%run_scoped3A : memref<!tpu.dma_semaphore, #tpu.memory_space<semaphore_mem>>) src(%dma_wait3A_56 : memref<64xi32, #tpu.memory_space<hbm>>) dst(%arg8 : memref<64xi32, #tpu.memory_space<vmem>>)
      tpu.yield
    }) : () -> ()
    %dma_start3A = arith.constant 0 : i32
    %dma_start3A_5 = arith.constant 0 : i32
    %dma_start3A_6 = tpu.memref_slice %arg2[%dma_start3A, %dma_start3A_5] : memref<100000x128xf32, #tpu.memory_space<hbm>> -> memref<100000x128xf32, #tpu.memory_space<hbm>>
    tpu.enqueue_indirect_dma source(%dma_start3A_6 : memref<100000x128xf32, #tpu.memory_space<hbm>>) target(%arg11 : memref<64x128xf32, #tpu.memory_space<vmem>>) offsets(%arg8 : memref<64xi32, #tpu.memory_space<vmem>>) semaphore(%arg16 : memref<!tpu.dma_semaphore, #tpu.memory_space<semaphore_mem>>)
    %dma_start3A_7 = arith.constant 0 : i32
    %dma_start3A_8 = tpu.memref_slice %arg7[%dma_start3A_7] : memref<3200xi32, #tpu.memory_space<vmem>> -> memref<128xi32, #tpu.memory_space<vmem>>
    %dma_start3A_9 = arith.constant 0 : i32
    %dma_start3A_10 = arith.constant 0 : i32
    %dma_start3A_11 = tpu.memref_slice %arg2[%dma_start3A_9, %dma_start3A_10] : memref<100000x128xf32, #tpu.memory_space<hbm>> -> memref<100000x128xf32, #tpu.memory_space<hbm>>
    tpu.enqueue_indirect_dma source(%dma_start3A_11 : memref<100000x128xf32, #tpu.memory_space<hbm>>) target(%arg9 : memref<128x128xf32, #tpu.memory_space<vmem>>) offsets(%dma_start3A_8 : memref<128xi32, #tpu.memory_space<vmem>>) semaphore(%arg12 : memref<!tpu.dma_semaphore, #tpu.memory_space<semaphore_mem>>)
    %scan3A = arith.constant 0 : i32
    %scan3A_12 = arith.constant 0 : i32
    %scan3A_13 = arith.constant 12 : i32
    %scan3A_14 = arith.addi %scan3A_12, %scan3A_13 : i32
    %scan3A_15 = arith.constant 1 : i32
    scf.for %scan3A_53 = %scan3A_12 to %scan3A_14 step %scan3A_15  : i32 {
      %mul3A_54 = arith.constant 2 : i32
      %mul3A_55 = arith.muli %mul3A_54, %scan3A_53 : i32
      %add3A_56 = arith.constant 1 : i32
      %add3A_57 = arith.addi %mul3A_55, %add3A_56 : i32
      %mul3A_58 = arith.constant 128 : i32
      %mul3A_59 = arith.muli %mul3A_55, %mul3A_58 : i32
      %dma_wait3A_60 = tpu.memref_slice %arg7[%mul3A_59] : memref<3200xi32, #tpu.memory_space<vmem>> -> memref<128xi32, #tpu.memory_space<vmem>>
      %dma_wait3A_61 = arith.constant 0 : i32
      %dma_wait3A_62 = arith.constant 0 : i32
      %dma_wait3A_63 = tpu.memref_slice %arg2[%dma_wait3A_61, %dma_wait3A_62] : memref<100000x128xf32, #tpu.memory_space<hbm>> -> memref<100000x128xf32, #tpu.memory_space<hbm>>
      tpu.wait_indirect_dma semaphore(%arg12 : memref<!tpu.dma_semaphore, #tpu.memory_space<semaphore_mem>>) src(%dma_wait3A_63 : memref<100000x128xf32, #tpu.memory_space<hbm>>) dst(%arg9 : memref<128x128xf32, #tpu.memory_space<vmem>>)
      %gt3A = arith.constant 0 : i32
      %gt3A_64 = arith.cmpi sgt, %scan3A_53, %gt3A : i32
      %convert_element_type3A = arith.extui %gt3A_64 : i1 to i32
      %cond3A = arith.constant 0 : i32
      %cond3A_65 = arith.cmpi ne, %convert_element_type3A, %cond3A : i32
      scf.if %cond3A_65 {
        %sub3A = arith.constant 2 : i32
        %sub3A_96 = arith.subi %add3A_57, %sub3A : i32
        %mul3A_97 = arith.constant 128 : i32
        %mul3A_98 = arith.muli %sub3A_96, %mul3A_97 : i32
        %add3A_99 = arith.addi %mul3A_2, %mul3A_98 : i32
        %dma_wait3A_100 = arith.constant 0 : i32
        %dma_wait3A_101 = tpu.memref_slice %arg5[%add3A_99, %dma_wait3A_100] : memref<102400x128xf32, #tpu.memory_space<hbm>> -> memref<128x128xf32, #tpu.memory_space<hbm>>
        %dma_wait3A_102 = arith.constant 0 : i32
        %dma_wait3A_103 = tpu.memref_slice %arg5[%add3A_99, %dma_wait3A_102] : memref<102400x128xf32, #tpu.memory_space<hbm>> -> memref<128x128xf32, #tpu.memory_space<hbm>>
        tpu.wait_dma2 semaphore(%arg15 : memref<!tpu.dma_semaphore, #tpu.memory_space<semaphore_mem>>) src(%arg10 : memref<128x128xf32, #tpu.memory_space<vmem>>) dst(%dma_wait3A_103 : memref<128x128xf32, #tpu.memory_space<hbm>>)
      } else {
      }
      %mul3A_66 = arith.constant 128 : i32
      %mul3A_67 = arith.muli %add3A_57, %mul3A_66 : i32
      %dma_start3A_68 = tpu.memref_slice %arg7[%mul3A_67] : memref<3200xi32, #tpu.memory_space<vmem>> -> memref<128xi32, #tpu.memory_space<vmem>>
      %dma_start3A_69 = arith.constant 0 : i32
      %dma_start3A_70 = arith.constant 0 : i32
      %dma_start3A_71 = tpu.memref_slice %arg2[%dma_start3A_69, %dma_start3A_70] : memref<100000x128xf32, #tpu.memory_space<hbm>> -> memref<100000x128xf32, #tpu.memory_space<hbm>>
      tpu.enqueue_indirect_dma source(%dma_start3A_71 : memref<100000x128xf32, #tpu.memory_space<hbm>>) target(%arg10 : memref<128x128xf32, #tpu.memory_space<vmem>>) offsets(%dma_start3A_68 : memref<128xi32, #tpu.memory_space<vmem>>) semaphore(%arg13 : memref<!tpu.dma_semaphore, #tpu.memory_space<semaphore_mem>>)
      %mul3A_72 = arith.constant 128 : i32
      %mul3A_73 = arith.muli %mul3A_55, %mul3A_72 : i32
      %add3A_74 = arith.addi %mul3A_2, %mul3A_73 : i32
      %dma_start3A_75 = arith.constant 0 : i32
      %dma_start3A_76 = tpu.memref_slice %arg5[%add3A_74, %dma_start3A_75] : memref<102400x128xf32, #tpu.memory_space<hbm>> -> memref<128x128xf32, #tpu.memory_space<hbm>>
      %dma_start3A_77 = arith.constant 0 : i32
      %dma_start3A_78 = tpu.memref_slice %arg5[%add3A_74, %dma_start3A_77] : memref<102400x128xf32, #tpu.memory_space<hbm>> -> memref<128x128xf32, #tpu.memory_space<hbm>>
      tpu.enqueue_dma source(%arg9 : memref<128x128xf32, #tpu.memory_space<vmem>>) target(%dma_start3A_78 : memref<128x128xf32, #tpu.memory_space<hbm>>) target_semaphore(%arg14 : memref<!tpu.dma_semaphore, #tpu.memory_space<semaphore_mem>>)
      %lt3A = arith.constant 11 : i32
      %lt3A_79 = arith.cmpi slt, %scan3A_53, %lt3A : i32
      %convert_element_type3A_80 = arith.extui %lt3A_79 : i1 to i32
      %cond3A_81 = arith.constant 0 : i32
      %cond3A_82 = arith.cmpi ne, %convert_element_type3A_80, %cond3A_81 : i32
      scf.if %cond3A_82 {
        %mul3A_96 = arith.constant 128 : i32
        %mul3A_97 = arith.muli %mul3A_55, %mul3A_96 : i32
        %add3A_98 = arith.addi %mul3A_2, %mul3A_97 : i32
        %dma_wait3A_99 = arith.constant 0 : i32
        %dma_wait3A_100 = tpu.memref_slice %arg5[%add3A_98, %dma_wait3A_99] : memref<102400x128xf32, #tpu.memory_space<hbm>> -> memref<128x128xf32, #tpu.memory_space<hbm>>
        %dma_wait3A_101 = arith.constant 0 : i32
        %dma_wait3A_102 = tpu.memref_slice %arg5[%add3A_98, %dma_wait3A_101] : memref<102400x128xf32, #tpu.memory_space<hbm>> -> memref<128x128xf32, #tpu.memory_space<hbm>>
        tpu.wait_dma2 semaphore(%arg14 : memref<!tpu.dma_semaphore, #tpu.memory_space<semaphore_mem>>) src(%arg9 : memref<128x128xf32, #tpu.memory_space<vmem>>) dst(%dma_wait3A_102 : memref<128x128xf32, #tpu.memory_space<hbm>>)
        %add3A_103 = arith.constant 2 : i32
        %add3A_104 = arith.addi %mul3A_55, %add3A_103 : i32
        %mul3A_105 = arith.constant 128 : i32
        %mul3A_106 = arith.muli %add3A_104, %mul3A_105 : i32
        %dma_start3A_107 = tpu.memref_slice %arg7[%mul3A_106] : memref<3200xi32, #tpu.memory_space<vmem>> -> memref<128xi32, #tpu.memory_space<vmem>>
        %dma_start3A_108 = arith.constant 0 : i32
        %dma_start3A_109 = arith.constant 0 : i32
        %dma_start3A_110 = tpu.memref_slice %arg2[%dma_start3A_108, %dma_start3A_109] : memref<100000x128xf32, #tpu.memory_space<hbm>> -> memref<100000x128xf32, #tpu.memory_space<hbm>>
        tpu.enqueue_indirect_dma source(%dma_start3A_110 : memref<100000x128xf32, #tpu.memory_space<hbm>>) target(%arg9 : memref<128x128xf32, #tpu.memory_space<vmem>>) offsets(%dma_start3A_107 : memref<128xi32, #tpu.memory_space<vmem>>) semaphore(%arg12 : memref<!tpu.dma_semaphore, #tpu.memory_space<semaphore_mem>>)
      } else {
      }
      %mul3A_83 = arith.constant 128 : i32
      %mul3A_84 = arith.muli %add3A_57, %mul3A_83 : i32
      %dma_wait3A_85 = tpu.memref_slice %arg7[%mul3A_84] : memref<3200xi32, #tpu.memory_space<vmem>> -> memref<128xi32, #tpu.memory_space<vmem>>
      %dma_wait3A_86 = arith.constant 0 : i32
      %dma_wait3A_87 = arith.constant 0 : i32
      %dma_wait3A_88 = tpu.memref_slice %arg2[%dma_wait3A_86, %dma_wait3A_87] : memref<100000x128xf32, #tpu.memory_space<hbm>> -> memref<100000x128xf32, #tpu.memory_space<hbm>>
      tpu.wait_indirect_dma semaphore(%arg13 : memref<!tpu.dma_semaphore, #tpu.memory_space<semaphore_mem>>) src(%dma_wait3A_88 : memref<100000x128xf32, #tpu.memory_space<hbm>>) dst(%arg10 : memref<128x128xf32, #tpu.memory_space<vmem>>)
      %mul3A_89 = arith.constant 128 : i32
      %mul3A_90 = arith.muli %add3A_57, %mul3A_89 : i32
      %add3A_91 = arith.addi %mul3A_2, %mul3A_90 : i32
      %dma_start3A_92 = arith.constant 0 : i32
      %dma_start3A_93 = tpu.memref_slice %arg5[%add3A_91, %dma_start3A_92] : memref<102400x128xf32, #tpu.memory_space<hbm>> -> memref<128x128xf32, #tpu.memory_space<hbm>>
      %dma_start3A_94 = arith.constant 0 : i32
      %dma_start3A_95 = tpu.memref_slice %arg5[%add3A_91, %dma_start3A_94] : memref<102400x128xf32, #tpu.memory_space<hbm>> -> memref<128x128xf32, #tpu.memory_space<hbm>>
      tpu.enqueue_dma source(%arg10 : memref<128x128xf32, #tpu.memory_space<vmem>>) target(%dma_start3A_95 : memref<128x128xf32, #tpu.memory_space<hbm>>) target_semaphore(%arg15 : memref<!tpu.dma_semaphore, #tpu.memory_space<semaphore_mem>>)
    }
    %scan3A_16 = arith.constant 12 : i32
    %add3A_17 = arith.constant 2816 : i32
    %add3A_18 = arith.addi %mul3A_2, %add3A_17 : i32
    %dma_wait3A = arith.constant 0 : i32
    %dma_wait3A_19 = tpu.memref_slice %arg5[%add3A_18, %dma_wait3A] : memref<102400x128xf32, #tpu.memory_space<hbm>> -> memref<128x128xf32, #tpu.memory_space<hbm>>
    %dma_wait3A_20 = arith.constant 0 : i32
    %dma_wait3A_21 = tpu.memref_slice %arg5[%add3A_18, %dma_wait3A_20] : memref<102400x128xf32, #tpu.memory_space<hbm>> -> memref<128x128xf32, #tpu.memory_space<hbm>>
    tpu.wait_dma2 semaphore(%arg14 : memref<!tpu.dma_semaphore, #tpu.memory_space<semaphore_mem>>) src(%arg9 : memref<128x128xf32, #tpu.memory_space<vmem>>) dst(%dma_wait3A_21 : memref<128x128xf32, #tpu.memory_space<hbm>>)
    %dma_start3A_22 = arith.constant 3072 : i32
    %dma_start3A_23 = tpu.memref_slice %arg7[%dma_start3A_22] : memref<3200xi32, #tpu.memory_space<vmem>> -> memref<128xi32, #tpu.memory_space<vmem>>
    %dma_start3A_24 = arith.constant 0 : i32
    %dma_start3A_25 = arith.constant 0 : i32
    %dma_start3A_26 = tpu.memref_slice %arg2[%dma_start3A_24, %dma_start3A_25] : memref<100000x128xf32, #tpu.memory_space<hbm>> -> memref<100000x128xf32, #tpu.memory_space<hbm>>
    tpu.enqueue_indirect_dma source(%dma_start3A_26 : memref<100000x128xf32, #tpu.memory_space<hbm>>) target(%arg9 : memref<128x128xf32, #tpu.memory_space<vmem>>) offsets(%dma_start3A_23 : memref<128xi32, #tpu.memory_space<vmem>>) semaphore(%arg12 : memref<!tpu.dma_semaphore, #tpu.memory_space<semaphore_mem>>)
    %dma_wait3A_27 = arith.constant 3072 : i32
    %dma_wait3A_28 = tpu.memref_slice %arg7[%dma_wait3A_27] : memref<3200xi32, #tpu.memory_space<vmem>> -> memref<128xi32, #tpu.memory_space<vmem>>
    %dma_wait3A_29 = arith.constant 0 : i32
    %dma_wait3A_30 = arith.constant 0 : i32
    %dma_wait3A_31 = tpu.memref_slice %arg2[%dma_wait3A_29, %dma_wait3A_30] : memref<100000x128xf32, #tpu.memory_space<hbm>> -> memref<100000x128xf32, #tpu.memory_space<hbm>>
    tpu.wait_indirect_dma semaphore(%arg12 : memref<!tpu.dma_semaphore, #tpu.memory_space<semaphore_mem>>) src(%dma_wait3A_31 : memref<100000x128xf32, #tpu.memory_space<hbm>>) dst(%arg9 : memref<128x128xf32, #tpu.memory_space<vmem>>)
    %add3A_32 = arith.constant 3072 : i32
    %add3A_33 = arith.addi %mul3A_2, %add3A_32 : i32
    %dma_start3A_34 = arith.constant 0 : i32
    %dma_start3A_35 = tpu.memref_slice %arg5[%add3A_33, %dma_start3A_34] : memref<102400x128xf32, #tpu.memory_space<hbm>> -> memref<128x128xf32, #tpu.memory_space<hbm>>
    %dma_start3A_36 = arith.constant 0 : i32
    %dma_start3A_37 = tpu.memref_slice %arg5[%add3A_33, %dma_start3A_36] : memref<102400x128xf32, #tpu.memory_space<hbm>> -> memref<128x128xf32, #tpu.memory_space<hbm>>
    tpu.enqueue_dma source(%arg9 : memref<128x128xf32, #tpu.memory_space<vmem>>) target(%dma_start3A_37 : memref<128x128xf32, #tpu.memory_space<hbm>>) target_semaphore(%arg14 : memref<!tpu.dma_semaphore, #tpu.memory_space<semaphore_mem>>)
    %add3A_38 = arith.constant 3072 : i32
    %add3A_39 = arith.addi %mul3A_2, %add3A_38 : i32
    %dma_wait3A_40 = arith.constant 0 : i32
    %dma_wait3A_41 = tpu.memref_slice %arg5[%add3A_39, %dma_wait3A_40] : memref<102400x128xf32, #tpu.memory_space<hbm>> -> memref<128x128xf32, #tpu.memory_space<hbm>>
    %dma_wait3A_42 = arith.constant 0 : i32
    %dma_wait3A_43 = tpu.memref_slice %arg5[%add3A_39, %dma_wait3A_42] : memref<102400x128xf32, #tpu.memory_space<hbm>> -> memref<128x128xf32, #tpu.memory_space<hbm>>
    tpu.wait_dma2 semaphore(%arg14 : memref<!tpu.dma_semaphore, #tpu.memory_space<semaphore_mem>>) src(%arg9 : memref<128x128xf32, #tpu.memory_space<vmem>>) dst(%dma_wait3A_43 : memref<128x128xf32, #tpu.memory_space<hbm>>)
    %add3A_44 = arith.constant 2944 : i32
    %add3A_45 = arith.addi %mul3A_2, %add3A_44 : i32
    %dma_wait3A_46 = arith.constant 0 : i32
    %dma_wait3A_47 = tpu.memref_slice %arg5[%add3A_45, %dma_wait3A_46] : memref<102400x128xf32, #tpu.memory_space<hbm>> -> memref<128x128xf32, #tpu.memory_space<hbm>>
    %dma_wait3A_48 = arith.constant 0 : i32
    %dma_wait3A_49 = tpu.memref_slice %arg5[%add3A_45, %dma_wait3A_48] : memref<102400x128xf32, #tpu.memory_space<hbm>> -> memref<128x128xf32, #tpu.memory_space<hbm>>
    tpu.wait_dma2 semaphore(%arg15 : memref<!tpu.dma_semaphore, #tpu.memory_space<semaphore_mem>>) src(%arg10 : memref<128x128xf32, #tpu.memory_space<vmem>>) dst(%dma_wait3A_49 : memref<128x128xf32, #tpu.memory_space<hbm>>)
    %dma_wait3A_50 = arith.constant 0 : i32
    %dma_wait3A_51 = arith.constant 0 : i32
    %dma_wait3A_52 = tpu.memref_slice %arg2[%dma_wait3A_50, %dma_wait3A_51] : memref<100000x128xf32, #tpu.memory_space<hbm>> -> memref<100000x128xf32, #tpu.memory_space<hbm>>
    tpu.wait_indirect_dma semaphore(%arg16 : memref<!tpu.dma_semaphore, #tpu.memory_space<semaphore_mem>>) src(%dma_wait3A_52 : memref<100000x128xf32, #tpu.memory_space<hbm>>) dst(%arg11 : memref<64x128xf32, #tpu.memory_space<vmem>>)
    "tpu.region"() ({
      %run_scoped3A = tpu.sem_alloc : memref<!tpu.dma_semaphore, #tpu.memory_space<semaphore_mem>>
      %dma_start3A_53 = arith.constant 0 : i32
      %dma_start3A_54 = tpu.memref_slice %arg6[%mul3A_4, %dma_start3A_53] : memref<2048x128xf32, #tpu.memory_space<hbm>> -> memref<64x128xf32, #tpu.memory_space<hbm>>
      %dma_start3A_55 = arith.constant 0 : i32
      %dma_start3A_56 = tpu.memref_slice %arg6[%mul3A_4, %dma_start3A_55] : memref<2048x128xf32, #tpu.memory_space<hbm>> -> memref<64x128xf32, #tpu.memory_space<hbm>>
      tpu.enqueue_dma source(%arg11 : memref<64x128xf32, #tpu.memory_space<vmem>>) target(%dma_start3A_56 : memref<64x128xf32, #tpu.memory_space<hbm>>) target_semaphore(%run_scoped3A : memref<!tpu.dma_semaphore, #tpu.memory_space<semaphore_mem>>)
      %dma_wait3A_57 = arith.constant 0 : i32
      %dma_wait3A_58 = tpu.memref_slice %arg6[%mul3A_4, %dma_wait3A_57] : memref<2048x128xf32, #tpu.memory_space<hbm>> -> memref<64x128xf32, #tpu.memory_space<hbm>>
      %dma_wait3A_59 = arith.constant 0 : i32
      %dma_wait3A_60 = tpu.memref_slice %arg6[%mul3A_4, %dma_wait3A_59] : memref<2048x128xf32, #tpu.memory_space<hbm>> -> memref<64x128xf32, #tpu.memory_space<hbm>>
      tpu.wait_dma2 semaphore(%run_scoped3A : memref<!tpu.dma_semaphore, #tpu.memory_space<semaphore_mem>>) src(%arg11 : memref<64x128xf32, #tpu.memory_space<vmem>>) dst(%dma_wait3A_60 : memref<64x128xf32, #tpu.memory_space<hbm>>)
      tpu.yield
    }) : () -> ()
    return
  }
}

#map = affine_map<(d0, d1) -> (0, 0)>
#map1 = affine_map<(d0, d1) -> (0)>
module attributes {stable_mosaic.version = 14 : i64} {
  func.func @k(%arg0: i32, %arg1: i32, %arg2: memref<100000x128xf32, #tpu.memory_space<hbm>>, %arg3: memref<102400xi32, #tpu.memory_space<hbm>>, %arg4: memref<2048xi32, #tpu.memory_space<hbm>>, %arg5: memref<102400x128xf32, #tpu.memory_space<hbm>>, %arg6: memref<2048x128xf32, #tpu.memory_space<hbm>>, %arg7: memref<3200xi32, #tpu.memory_space<vmem>>, %arg8: memref<64xi32, #tpu.memory_space<vmem>>, %arg9: memref<128x128xf32, #tpu.memory_space<vmem>>, %arg10: memref<128x128xf32, #tpu.memory_space<vmem>>, %arg11: memref<64x128xf32, #tpu.memory_space<vmem>>, %arg12: memref<!tpu.dma_semaphore, #tpu.memory_space<semaphore_mem>>, %arg13: memref<!tpu.dma_semaphore, #tpu.memory_space<semaphore_mem>>, %arg14: memref<!tpu.dma_semaphore, #tpu.memory_space<semaphore_mem>>, %arg15: memref<!tpu.dma_semaphore, #tpu.memory_space<semaphore_mem>>, %arg16: memref<!tpu.dma_semaphore, #tpu.memory_space<semaphore_mem>>) attributes {dimension_semantics = [#tpu.dimension_semantics<core_parallel>, #tpu.dimension_semantics<subcore_parallel>], iteration_bounds = array<i64: 2, 16>, scalar_prefetch = 0 : i64, scratch_operands = 10 : i64, tpu.core_type = #tpu.core_type<sc_vector_subcore>, window_params = [{transform_indices = #map}, {transform_indices = #map1}, {transform_indices = #map1}, {transform_indices = #map}, {transform_indices = #map}]} {
    %mul3A = arith.constant 2 : i32
    %mul3A_0 = arith.muli %arg1, %mul3A : i32
    %add3A = arith.addi %mul3A_0, %arg0 : i32
    %mul3A_1 = arith.constant 3200 : i32
    %mul3A_2 = arith.muli %add3A, %mul3A_1 : i32
    "tpu.region"() ({
      %run_scoped3A = tpu.sem_alloc : memref<!tpu.dma_semaphore, #tpu.memory_space<semaphore_mem>>
      %dma_start3A_53 = tpu.memref_slice %arg3[%mul3A_2] : memref<102400xi32, #tpu.memory_space<hbm>> -> memref<3200xi32, #tpu.memory_space<hbm>>
      %dma_start3A_54 = tpu.memref_slice %arg3[%mul3A_2] : memref<102400xi32, #tpu.memory_space<hbm>> -> memref<3200xi32, #tpu.memory_space<hbm>>
      tpu.enqueue_dma source(%dma_start3A_54 : memref<3200xi32, #tpu.memory_space<hbm>>) target(%arg7 : memref<3200xi32, #tpu.memory_space<vmem>>) target_semaphore(%run_scoped3A : memref<!tpu.dma_semaphore, #tpu.memory_space<semaphore_mem>>)
      %dma_wait3A_55 = tpu.memref_slice %arg3[%mul3A_2] : memref<102400xi32, #tpu.memory_space<hbm>> -> memref<3200xi32, #tpu.memory_space<hbm>>
      %dma_wait3A_56 = tpu.memref_slice %arg3[%mul3A_2] : memref<102400xi32, #tpu.memory_space<hbm>> -> memref<3200xi32, #tpu.memory_space<hbm>>
      tpu.wait_dma2 semaphore(%run_scoped3A : memref<!tpu.dma_semaphore, #tpu.memory_space<semaphore_mem>>) src(%dma_wait3A_56 : memref<3200xi32, #tpu.memory_space<hbm>>) dst(%arg7 : memref<3200xi32, #tpu.memory_space<vmem>>)
      tpu.yield
    }) : () -> ()
    %mul3A_3 = arith.constant 64 : i32
    %mul3A_4 = arith.muli %add3A, %mul3A_3 : i32
    "tpu.region"() ({
      %run_scoped3A = tpu.sem_alloc : memref<!tpu.dma_semaphore, #tpu.memory_space<semaphore_mem>>
      %dma_start3A_53 = tpu.memref_slice %arg4[%mul3A_4] : memref<2048xi32, #tpu.memory_space<hbm>> -> memref<64xi32, #tpu.memory_space<hbm>>
      %dma_start3A_54 = tpu.memref_slice %arg4[%mul3A_4] : memref<2048xi32, #tpu.memory_space<hbm>> -> memref<64xi32, #tpu.memory_space<hbm>>
      tpu.enqueue_dma source(%dma_start3A_54 : memref<64xi32, #tpu.memory_space<hbm>>) target(%arg8 : memref<64xi32, #tpu.memory_space<vmem>>) target_semaphore(%run_scoped3A : memref<!tpu.dma_semaphore, #tpu.memory_space<semaphore_mem>>)
      %dma_wait3A_55 = tpu.memref_slice %arg4[%mul3A_4] : memref<2048xi32, #tpu.memory_space<hbm>> -> memref<64xi32, #tpu.memory_space<hbm>>
      %dma_wait3A_56 = tpu.memref_slice %arg4[%mul3A_4] : memref<2048xi32, #tpu.memory_space<hbm>> -> memref<64xi32, #tpu.memory_space<hbm>>
      tpu.wait_dma2 semaphore(%run_scoped3A : memref<!tpu.dma_semaphore, #tpu.memory_space<semaphore_mem>>) src(%dma_wait3A_56 : memref<64xi32, #tpu.memory_space<hbm>>) dst(%arg8 : memref<64xi32, #tpu.memory_space<vmem>>)
      tpu.yield
    }) : () -> ()
    %dma_start3A = arith.constant 0 : i32
    %dma_start3A_5 = arith.constant 0 : i32
    %dma_start3A_6 = tpu.memref_slice %arg2[%dma_start3A, %dma_start3A_5] : memref<100000x128xf32, #tpu.memory_space<hbm>> -> memref<100000x128xf32, #tpu.memory_space<hbm>>
    tpu.enqueue_indirect_dma source(%dma_start3A_6 : memref<100000x128xf32, #tpu.memory_space<hbm>>) target(%arg11 : memref<64x128xf32, #tpu.memory_space<vmem>>) offsets(%arg8 : memref<64xi32, #tpu.memory_space<vmem>>) semaphore(%arg16 : memref<!tpu.dma_semaphore, #tpu.memory_space<semaphore_mem>>)
    %dma_start3A_7 = arith.constant 0 : i32
    %dma_start3A_8 = tpu.memref_slice %arg7[%dma_start3A_7] : memref<3200xi32, #tpu.memory_space<vmem>> -> memref<128xi32, #tpu.memory_space<vmem>>
    %dma_start3A_9 = arith.constant 0 : i32
    %dma_start3A_10 = arith.constant 0 : i32
    %dma_start3A_11 = tpu.memref_slice %arg2[%dma_start3A_9, %dma_start3A_10] : memref<100000x128xf32, #tpu.memory_space<hbm>> -> memref<100000x128xf32, #tpu.memory_space<hbm>>
    tpu.enqueue_indirect_dma source(%dma_start3A_11 : memref<100000x128xf32, #tpu.memory_space<hbm>>) target(%arg9 : memref<128x128xf32, #tpu.memory_space<vmem>>) offsets(%dma_start3A_8 : memref<128xi32, #tpu.memory_space<vmem>>) semaphore(%arg12 : memref<!tpu.dma_semaphore, #tpu.memory_space<semaphore_mem>>)
    %scan3A = arith.constant 0 : i32
    %scan3A_12 = arith.constant 0 : i32
    %scan3A_13 = arith.constant 12 : i32
    %scan3A_14 = arith.addi %scan3A_12, %scan3A_13 : i32
    %scan3A_15 = arith.constant 1 : i32
    scf.for %scan3A_53 = %scan3A_12 to %scan3A_14 step %scan3A_15  : i32 {
      %mul3A_54 = arith.constant 2 : i32
      %mul3A_55 = arith.muli %mul3A_54, %scan3A_53 : i32
      %add3A_56 = arith.constant 1 : i32
      %add3A_57 = arith.addi %mul3A_55, %add3A_56 : i32
      %mul3A_58 = arith.constant 128 : i32
      %mul3A_59 = arith.muli %mul3A_55, %mul3A_58 : i32
      %dma_wait3A_60 = tpu.memref_slice %arg7[%mul3A_59] : memref<3200xi32, #tpu.memory_space<vmem>> -> memref<128xi32, #tpu.memory_space<vmem>>
      %dma_wait3A_61 = arith.constant 0 : i32
      %dma_wait3A_62 = arith.constant 0 : i32
      %dma_wait3A_63 = tpu.memref_slice %arg2[%dma_wait3A_61, %dma_wait3A_62] : memref<100000x128xf32, #tpu.memory_space<hbm>> -> memref<100000x128xf32, #tpu.memory_space<hbm>>
      tpu.wait_indirect_dma semaphore(%arg12 : memref<!tpu.dma_semaphore, #tpu.memory_space<semaphore_mem>>) src(%dma_wait3A_63 : memref<100000x128xf32, #tpu.memory_space<hbm>>) dst(%arg9 : memref<128x128xf32, #tpu.memory_space<vmem>>)
      %gt3A = arith.constant 0 : i32
      %gt3A_64 = arith.cmpi sgt, %scan3A_53, %gt3A : i32
      %convert_element_type3A = arith.extui %gt3A_64 : i1 to i32
      %cond3A = arith.constant 0 : i32
      %cond3A_65 = arith.cmpi ne, %convert_element_type3A, %cond3A : i32
      scf.if %cond3A_65 {
        %sub3A = arith.constant 2 : i32
        %sub3A_96 = arith.subi %add3A_57, %sub3A : i32
        %mul3A_97 = arith.constant 128 : i32
        %mul3A_98 = arith.muli %sub3A_96, %mul3A_97 : i32
        %add3A_99 = arith.addi %mul3A_2, %mul3A_98 : i32
        %dma_wait3A_100 = arith.constant 0 : i32
        %dma_wait3A_101 = tpu.memref_slice %arg5[%add3A_99, %dma_wait3A_100] : memref<102400x128xf32, #tpu.memory_space<hbm>> -> memref<128x128xf32, #tpu.memory_space<hbm>>
        %dma_wait3A_102 = arith.constant 0 : i32
        %dma_wait3A_103 = tpu.memref_slice %arg5[%add3A_99, %dma_wait3A_102] : memref<102400x128xf32, #tpu.memory_space<hbm>> -> memref<128x128xf32, #tpu.memory_space<hbm>>
        tpu.wait_dma2 semaphore(%arg15 : memref<!tpu.dma_semaphore, #tpu.memory_space<semaphore_mem>>) src(%arg10 : memref<128x128xf32, #tpu.memory_space<vmem>>) dst(%dma_wait3A_103 : memref<128x128xf32, #tpu.memory_space<hbm>>)
      } else {
      }
      %mul3A_66 = arith.constant 128 : i32
      %mul3A_67 = arith.muli %add3A_57, %mul3A_66 : i32
      %dma_start3A_68 = tpu.memref_slice %arg7[%mul3A_67] : memref<3200xi32, #tpu.memory_space<vmem>> -> memref<128xi32, #tpu.memory_space<vmem>>
      %dma_start3A_69 = arith.constant 0 : i32
      %dma_start3A_70 = arith.constant 0 : i32
      %dma_start3A_71 = tpu.memref_slice %arg2[%dma_start3A_69, %dma_start3A_70] : memref<100000x128xf32, #tpu.memory_space<hbm>> -> memref<100000x128xf32, #tpu.memory_space<hbm>>
      tpu.enqueue_indirect_dma source(%dma_start3A_71 : memref<100000x128xf32, #tpu.memory_space<hbm>>) target(%arg10 : memref<128x128xf32, #tpu.memory_space<vmem>>) offsets(%dma_start3A_68 : memref<128xi32, #tpu.memory_space<vmem>>) semaphore(%arg13 : memref<!tpu.dma_semaphore, #tpu.memory_space<semaphore_mem>>)
      %mul3A_72 = arith.constant 128 : i32
      %mul3A_73 = arith.muli %mul3A_55, %mul3A_72 : i32
      %add3A_74 = arith.addi %mul3A_2, %mul3A_73 : i32
      %dma_start3A_75 = arith.constant 0 : i32
      %dma_start3A_76 = tpu.memref_slice %arg5[%add3A_74, %dma_start3A_75] : memref<102400x128xf32, #tpu.memory_space<hbm>> -> memref<128x128xf32, #tpu.memory_space<hbm>>
      %dma_start3A_77 = arith.constant 0 : i32
      %dma_start3A_78 = tpu.memref_slice %arg5[%add3A_74, %dma_start3A_77] : memref<102400x128xf32, #tpu.memory_space<hbm>> -> memref<128x128xf32, #tpu.memory_space<hbm>>
      tpu.enqueue_dma source(%arg9 : memref<128x128xf32, #tpu.memory_space<vmem>>) target(%dma_start3A_78 : memref<128x128xf32, #tpu.memory_space<hbm>>) target_semaphore(%arg14 : memref<!tpu.dma_semaphore, #tpu.memory_space<semaphore_mem>>)
      %lt3A = arith.constant 11 : i32
      %lt3A_79 = arith.cmpi slt, %scan3A_53, %lt3A : i32
      %convert_element_type3A_80 = arith.extui %lt3A_79 : i1 to i32
      %cond3A_81 = arith.constant 0 : i32
      %cond3A_82 = arith.cmpi ne, %convert_element_type3A_80, %cond3A_81 : i32
      scf.if %cond3A_82 {
        %mul3A_96 = arith.constant 128 : i32
        %mul3A_97 = arith.muli %mul3A_55, %mul3A_96 : i32
        %add3A_98 = arith.addi %mul3A_2, %mul3A_97 : i32
        %dma_wait3A_99 = arith.constant 0 : i32
        %dma_wait3A_100 = tpu.memref_slice %arg5[%add3A_98, %dma_wait3A_99] : memref<102400x128xf32, #tpu.memory_space<hbm>> -> memref<128x128xf32, #tpu.memory_space<hbm>>
        %dma_wait3A_101 = arith.constant 0 : i32
        %dma_wait3A_102 = tpu.memref_slice %arg5[%add3A_98, %dma_wait3A_101] : memref<102400x128xf32, #tpu.memory_space<hbm>> -> memref<128x128xf32, #tpu.memory_space<hbm>>
        tpu.wait_dma2 semaphore(%arg14 : memref<!tpu.dma_semaphore, #tpu.memory_space<semaphore_mem>>) src(%arg9 : memref<128x128xf32, #tpu.memory_space<vmem>>) dst(%dma_wait3A_102 : memref<128x128xf32, #tpu.memory_space<hbm>>)
        %add3A_103 = arith.constant 2 : i32
        %add3A_104 = arith.addi %mul3A_55, %add3A_103 : i32
        %mul3A_105 = arith.constant 128 : i32
        %mul3A_106 = arith.muli %add3A_104, %mul3A_105 : i32
        %dma_start3A_107 = tpu.memref_slice %arg7[%mul3A_106] : memref<3200xi32, #tpu.memory_space<vmem>> -> memref<128xi32, #tpu.memory_space<vmem>>
        %dma_start3A_108 = arith.constant 0 : i32
        %dma_start3A_109 = arith.constant 0 : i32
        %dma_start3A_110 = tpu.memref_slice %arg2[%dma_start3A_108, %dma_start3A_109] : memref<100000x128xf32, #tpu.memory_space<hbm>> -> memref<100000x128xf32, #tpu.memory_space<hbm>>
        tpu.enqueue_indirect_dma source(%dma_start3A_110 : memref<100000x128xf32, #tpu.memory_space<hbm>>) target(%arg9 : memref<128x128xf32, #tpu.memory_space<vmem>>) offsets(%dma_start3A_107 : memref<128xi32, #tpu.memory_space<vmem>>) semaphore(%arg12 : memref<!tpu.dma_semaphore, #tpu.memory_space<semaphore_mem>>)
      } else {
      }
      %mul3A_83 = arith.constant 128 : i32
      %mul3A_84 = arith.muli %add3A_57, %mul3A_83 : i32
      %dma_wait3A_85 = tpu.memref_slice %arg7[%mul3A_84] : memref<3200xi32, #tpu.memory_space<vmem>> -> memref<128xi32, #tpu.memory_space<vmem>>
      %dma_wait3A_86 = arith.constant 0 : i32
      %dma_wait3A_87 = arith.constant 0 : i32
      %dma_wait3A_88 = tpu.memref_slice %arg2[%dma_wait3A_86, %dma_wait3A_87] : memref<100000x128xf32, #tpu.memory_space<hbm>> -> memref<100000x128xf32, #tpu.memory_space<hbm>>
      tpu.wait_indirect_dma semaphore(%arg13 : memref<!tpu.dma_semaphore, #tpu.memory_space<semaphore_mem>>) src(%dma_wait3A_88 : memref<100000x128xf32, #tpu.memory_space<hbm>>) dst(%arg10 : memref<128x128xf32, #tpu.memory_space<vmem>>)
      %mul3A_89 = arith.constant 128 : i32
      %mul3A_90 = arith.muli %add3A_57, %mul3A_89 : i32
      %add3A_91 = arith.addi %mul3A_2, %mul3A_90 : i32
      %dma_start3A_92 = arith.constant 0 : i32
      %dma_start3A_93 = tpu.memref_slice %arg5[%add3A_91, %dma_start3A_92] : memref<102400x128xf32, #tpu.memory_space<hbm>> -> memref<128x128xf32, #tpu.memory_space<hbm>>
      %dma_start3A_94 = arith.constant 0 : i32
      %dma_start3A_95 = tpu.memref_slice %arg5[%add3A_91, %dma_start3A_94] : memref<102400x128xf32, #tpu.memory_space<hbm>> -> memref<128x128xf32, #tpu.memory_space<hbm>>
      tpu.enqueue_dma source(%arg10 : memref<128x128xf32, #tpu.memory_space<vmem>>) target(%dma_start3A_95 : memref<128x128xf32, #tpu.memory_space<hbm>>) target_semaphore(%arg15 : memref<!tpu.dma_semaphore, #tpu.memory_space<semaphore_mem>>)
    }
    %scan3A_16 = arith.constant 12 : i32
    %add3A_17 = arith.constant 2816 : i32
    %add3A_18 = arith.addi %mul3A_2, %add3A_17 : i32
    %dma_wait3A = arith.constant 0 : i32
    %dma_wait3A_19 = tpu.memref_slice %arg5[%add3A_18, %dma_wait3A] : memref<102400x128xf32, #tpu.memory_space<hbm>> -> memref<128x128xf32, #tpu.memory_space<hbm>>
    %dma_wait3A_20 = arith.constant 0 : i32
    %dma_wait3A_21 = tpu.memref_slice %arg5[%add3A_18, %dma_wait3A_20] : memref<102400x128xf32, #tpu.memory_space<hbm>> -> memref<128x128xf32, #tpu.memory_space<hbm>>
    tpu.wait_dma2 semaphore(%arg14 : memref<!tpu.dma_semaphore, #tpu.memory_space<semaphore_mem>>) src(%arg9 : memref<128x128xf32, #tpu.memory_space<vmem>>) dst(%dma_wait3A_21 : memref<128x128xf32, #tpu.memory_space<hbm>>)
    %dma_start3A_22 = arith.constant 3072 : i32
    %dma_start3A_23 = tpu.memref_slice %arg7[%dma_start3A_22] : memref<3200xi32, #tpu.memory_space<vmem>> -> memref<128xi32, #tpu.memory_space<vmem>>
    %dma_start3A_24 = arith.constant 0 : i32
    %dma_start3A_25 = arith.constant 0 : i32
    %dma_start3A_26 = tpu.memref_slice %arg2[%dma_start3A_24, %dma_start3A_25] : memref<100000x128xf32, #tpu.memory_space<hbm>> -> memref<100000x128xf32, #tpu.memory_space<hbm>>
    tpu.enqueue_indirect_dma source(%dma_start3A_26 : memref<100000x128xf32, #tpu.memory_space<hbm>>) target(%arg9 : memref<128x128xf32, #tpu.memory_space<vmem>>) offsets(%dma_start3A_23 : memref<128xi32, #tpu.memory_space<vmem>>) semaphore(%arg12 : memref<!tpu.dma_semaphore, #tpu.memory_space<semaphore_mem>>)
    %dma_wait3A_27 = arith.constant 3072 : i32
    %dma_wait3A_28 = tpu.memref_slice %arg7[%dma_wait3A_27] : memref<3200xi32, #tpu.memory_space<vmem>> -> memref<128xi32, #tpu.memory_space<vmem>>
    %dma_wait3A_29 = arith.constant 0 : i32
    %dma_wait3A_30 = arith.constant 0 : i32
    %dma_wait3A_31 = tpu.memref_slice %arg2[%dma_wait3A_29, %dma_wait3A_30] : memref<100000x128xf32, #tpu.memory_space<hbm>> -> memref<100000x128xf32, #tpu.memory_space<hbm>>
    tpu.wait_indirect_dma semaphore(%arg12 : memref<!tpu.dma_semaphore, #tpu.memory_space<semaphore_mem>>) src(%dma_wait3A_31 : memref<100000x128xf32, #tpu.memory_space<hbm>>) dst(%arg9 : memref<128x128xf32, #tpu.memory_space<vmem>>)
    %add3A_32 = arith.constant 3072 : i32
    %add3A_33 = arith.addi %mul3A_2, %add3A_32 : i32
    %dma_start3A_34 = arith.constant 0 : i32
    %dma_start3A_35 = tpu.memref_slice %arg5[%add3A_33, %dma_start3A_34] : memref<102400x128xf32, #tpu.memory_space<hbm>> -> memref<128x128xf32, #tpu.memory_space<hbm>>
    %dma_start3A_36 = arith.constant 0 : i32
    %dma_start3A_37 = tpu.memref_slice %arg5[%add3A_33, %dma_start3A_36] : memref<102400x128xf32, #tpu.memory_space<hbm>> -> memref<128x128xf32, #tpu.memory_space<hbm>>
    tpu.enqueue_dma source(%arg9 : memref<128x128xf32, #tpu.memory_space<vmem>>) target(%dma_start3A_37 : memref<128x128xf32, #tpu.memory_space<hbm>>) target_semaphore(%arg14 : memref<!tpu.dma_semaphore, #tpu.memory_space<semaphore_mem>>)
    %add3A_38 = arith.constant 3072 : i32
    %add3A_39 = arith.addi %mul3A_2, %add3A_38 : i32
    %dma_wait3A_40 = arith.constant 0 : i32
    %dma_wait3A_41 = tpu.memref_slice %arg5[%add3A_39, %dma_wait3A_40] : memref<102400x128xf32, #tpu.memory_space<hbm>> -> memref<128x128xf32, #tpu.memory_space<hbm>>
    %dma_wait3A_42 = arith.constant 0 : i32
    %dma_wait3A_43 = tpu.memref_slice %arg5[%add3A_39, %dma_wait3A_42] : memref<102400x128xf32, #tpu.memory_space<hbm>> -> memref<128x128xf32, #tpu.memory_space<hbm>>
    tpu.wait_dma2 semaphore(%arg14 : memref<!tpu.dma_semaphore, #tpu.memory_space<semaphore_mem>>) src(%arg9 : memref<128x128xf32, #tpu.memory_space<vmem>>) dst(%dma_wait3A_43 : memref<128x128xf32, #tpu.memory_space<hbm>>)
    %add3A_44 = arith.constant 2944 : i32
    %add3A_45 = arith.addi %mul3A_2, %add3A_44 : i32
    %dma_wait3A_46 = arith.constant 0 : i32
    %dma_wait3A_47 = tpu.memref_slice %arg5[%add3A_45, %dma_wait3A_46] : memref<102400x128xf32, #tpu.memory_space<hbm>> -> memref<128x128xf32, #tpu.memory_space<hbm>>
    %dma_wait3A_48 = arith.constant 0 : i32
    %dma_wait3A_49 = tpu.memref_slice %arg5[%add3A_45, %dma_wait3A_48] : memref<102400x128xf32, #tpu.memory_space<hbm>> -> memref<128x128xf32, #tpu.memory_space<hbm>>
    tpu.wait_dma2 semaphore(%arg15 : memref<!tpu.dma_semaphore, #tpu.memory_space<semaphore_mem>>) src(%arg10 : memref<128x128xf32, #tpu.memory_space<vmem>>) dst(%dma_wait3A_49 : memref<128x128xf32, #tpu.memory_space<hbm>>)
    %dma_wait3A_50 = arith.constant 0 : i32
    %dma_wait3A_51 = arith.constant 0 : i32
    %dma_wait3A_52 = tpu.memref_slice %arg2[%dma_wait3A_50, %dma_wait3A_51] : memref<100000x128xf32, #tpu.memory_space<hbm>> -> memref<100000x128xf32, #tpu.memory_space<hbm>>
    tpu.wait_indirect_dma semaphore(%arg16 : memref<!tpu.dma_semaphore, #tpu.memory_space<semaphore_mem>>) src(%dma_wait3A_52 : memref<100000x128xf32, #tpu.memory_space<hbm>>) dst(%arg11 : memref<64x128xf32, #tpu.memory_space<vmem>>)
    "tpu.region"() ({
      %run_scoped3A = tpu.sem_alloc : memref<!tpu.dma_semaphore, #tpu.memory_space<semaphore_mem>>
      %dma_start3A_53 = arith.constant 0 : i32
      %dma_start3A_54 = tpu.memref_slice %arg6[%mul3A_4, %dma_start3A_53] : memref<2048x128xf32, #tpu.memory_space<hbm>> -> memref<64x128xf32, #tpu.memory_space<hbm>>
      %dma_start3A_55 = arith.constant 0 : i32
      %dma_start3A_56 = tpu.memref_slice %arg6[%mul3A_4, %dma_start3A_55] : memref<2048x128xf32, #tpu.memory_space<hbm>> -> memref<64x128xf32, #tpu.memory_space<hbm>>
      tpu.enqueue_dma source(%arg11 : memref<64x128xf32, #tpu.memory_space<vmem>>) target(%dma_start3A_56 : memref<64x128xf32, #tpu.memory_space<hbm>>) target_semaphore(%run_scoped3A : memref<!tpu.dma_semaphore, #tpu.memory_space<semaphore_mem>>)
      %dma_wait3A_57 = arith.constant 0 : i32
      %dma_wait3A_58 = tpu.memref_slice %arg6[%mul3A_4, %dma_wait3A_57] : memref<2048x128xf32, #tpu.memory_space<hbm>> -> memref<64x128xf32, #tpu.memory_space<hbm>>
      %dma_wait3A_59 = arith.constant 0 : i32
      %dma_wait3A_60 = tpu.memref_slice %arg6[%mul3A_4, %dma_wait3A_59] : memref<2048x128xf32, #tpu.memory_space<hbm>> -> memref<64x128xf32, #tpu.memory_space<hbm>>
      tpu.wait_dma2 semaphore(%run_scoped3A : memref<!tpu.dma_semaphore, #tpu.memory_space<semaphore_mem>>) src(%arg11 : memref<64x128xf32, #tpu.memory_space<vmem>>) dst(%dma_wait3A_60 : memref<64x128xf32, #tpu.memory_space<hbm>>)
      tpu.yield
    }) : () -> ()
    return
  }
}

module attributes {stable_mosaic.version = 14 : i64} {
  func.func @_pre_body(%arg0: i32, %arg1: memref<64x8192xf32, #tpu.memory_space<vmem>>, %arg2: memref<64x8192xf32, #tpu.memory_space<vmem>>, %arg3: memref<64x64xbf16, #tpu.memory_space<vmem>>, %arg4: memref<64x64xbf16, #tpu.memory_space<vmem>>, %arg5: memref<1x64xf32, #tpu.memory_space<vmem>>, %arg6: memref<8192x128xf32, #tpu.memory_space<vmem>>) attributes {dimension_semantics = [#tpu.dimension_semantics<arbitrary>], iteration_bounds = array<i64: 13>, scalar_prefetch = 0 : i64, scratch_operands = 0 : i64, tpu.core_type = #tpu.core_type<tc>, window_params = [{transform_indices = @transform_0, window_bounds = array<i64: 64, 8192>}, {transform_indices = @transform_1, window_bounds = array<i64: 64, 8192>}, {pipeline_mode = #tpu.pipeline_mode<synchronous>, transform_indices = @transform_2, window_bounds = array<i64: 64, 64>}, {pipeline_mode = #tpu.pipeline_mode<synchronous>, transform_indices = @transform_3, window_bounds = array<i64: 64, 64>}, {pipeline_mode = #tpu.pipeline_mode<synchronous>, transform_indices = @transform_4, window_bounds = array<i64: 1, 64>}, {transform_indices = @transform_5, window_bounds = array<i64: 8192, 128>}]} {
    %get3A = arith.constant 0 : index
    %get3A_0 = arith.constant 0 : index
    %get3A_1 = vector.load %arg1[%get3A, %get3A_0] : memref<64x8192xf32, #tpu.memory_space<vmem>>, vector<64x8192xf32>
    %convert_element_type3A = arith.truncf %get3A_1 : vector<64x8192xf32> to vector<64x8192xbf16>
    %get3A_2 = arith.constant 0 : index
    %get3A_3 = arith.constant 0 : index
    %get3A_4 = vector.load %arg3[%get3A_2, %get3A_3] : memref<64x64xbf16, #tpu.memory_space<vmem>>, vector<64x64xbf16>
    %dot_general3A = arith.constant dense<0.000000e+00> : vector<8192x64xf32>
    %dot_general3A_5 = tpu.matmul %convert_element_type3A, %get3A_4, %dot_general3A {dimension_numbers = #tpu.dot_dimension_numbers<[0], [0], [1], [1], [0, 1, 1, 1], [], []>, transpose_lhs_hint = false} : vector<64x8192xbf16>, vector<64x64xbf16>, vector<8192x64xf32> -> vector<8192x64xf32>
    %get3A_6 = arith.constant 0 : index
    %get3A_7 = arith.constant 0 : index
    %get3A_8 = vector.load %arg2[%get3A_6, %get3A_7] : memref<64x8192xf32, #tpu.memory_space<vmem>>, vector<64x8192xf32>
    %convert_element_type3A_9 = arith.truncf %get3A_8 : vector<64x8192xf32> to vector<64x8192xbf16>
    %get3A_10 = arith.constant 0 : index
    %get3A_11 = arith.constant 0 : index
    %get3A_12 = vector.load %arg4[%get3A_10, %get3A_11] : memref<64x64xbf16, #tpu.memory_space<vmem>>, vector<64x64xbf16>
    %dot_general3A_13 = arith.constant dense<0.000000e+00> : vector<8192x64xf32>
    %dot_general3A_14 = tpu.matmul %convert_element_type3A_9, %get3A_12, %dot_general3A_13 {dimension_numbers = #tpu.dot_dimension_numbers<[0], [0], [1], [1], [0, 1, 1, 1], [], []>, transpose_lhs_hint = false} : vector<64x8192xbf16>, vector<64x64xbf16>, vector<8192x64xf32> -> vector<8192x64xf32>
    %get3A_15 = arith.constant 0 : index
    %get3A_16 = arith.constant 0 : index
    %get3A_17 = vector.load %arg5[%get3A_15, %get3A_16] : memref<1x64xf32, #tpu.memory_space<vmem>>, vector<1x64xf32>
    %add3A = vector.broadcast %get3A_17 : vector<1x64xf32> to vector<8192x64xf32>
    %add3A_18 = arith.addf %dot_general3A_14, %add3A : vector<8192x64xf32>
    %concatenate3A = tpu.concatenate %dot_general3A_5, %add3A_18 in 1 : vector<8192x64xf32>, vector<8192x64xf32> -> vector<8192x128xf32>
    %swap3A = arith.constant 0 : index
    %swap3A_19 = arith.constant 0 : index
    %swap3A_20 = vector.load %arg6[%swap3A, %swap3A_19] : memref<8192x128xf32, #tpu.memory_space<vmem>>, vector<8192x128xf32>
    tpu.vector_store %arg6[%swap3A, %swap3A_19], %concatenate3A {strides = array<i32>} : memref<8192x128xf32, #tpu.memory_space<vmem>>, vector<8192x128xf32>,
    return
  }
  func.func @transform_0(%arg0: i32) -> (i32, i32) {
    %c0_i32 = arith.constant 0 : i32
    %c0_i32_0 = arith.constant 0 : i32
    return %c0_i32, %arg0 : i32, i32
  }
  func.func @transform_1(%arg0: i32) -> (i32, i32) {
    %c0_i32 = arith.constant 0 : i32
    %c0_i32_0 = arith.constant 0 : i32
    return %c0_i32, %arg0 : i32, i32
  }
  func.func @transform_2(%arg0: i32) -> (i32, i32) {
    %c0_i32 = arith.constant 0 : i32
    %c0_i32_0 = arith.constant 0 : i32
    %c0_i32_1 = arith.constant 0 : i32
    return %c0_i32, %c0_i32_0 : i32, i32
  }
  func.func @transform_3(%arg0: i32) -> (i32, i32) {
    %c0_i32 = arith.constant 0 : i32
    %c0_i32_0 = arith.constant 0 : i32
    %c0_i32_1 = arith.constant 0 : i32
    return %c0_i32, %c0_i32_0 : i32, i32
  }
  func.func @transform_4(%arg0: i32) -> (i32, i32) {
    %c0_i32 = arith.constant 0 : i32
    %c0_i32_0 = arith.constant 0 : i32
    %c0_i32_1 = arith.constant 0 : i32
    return %c0_i32, %c0_i32_0 : i32, i32
  }
  func.func @transform_5(%arg0: i32) -> (i32, i32) {
    %c0_i32 = arith.constant 0 : i32
    %c0_i32_0 = arith.constant 0 : i32
    return %arg0, %c0_i32 : i32, i32
  }
}

module attributes {stable_mosaic.version = 14 : i64} {
  func.func @_tc_body(%arg0: i32, %arg1: memref<50x128x128xf32, #tpu.memory_space<vmem>>, %arg2: memref<128x128xf32, #tpu.memory_space<vmem>>, %arg3: memref<50x128x8xi8, #tpu.memory_space<vmem>>, %arg4: memref<8x64xf32, #tpu.memory_space<vmem>>, %arg5: memref<64x64xf32, #tpu.memory_space<vmem>>, %arg6: memref<1x64xf32, #tpu.memory_space<vmem>>, %arg7: memref<64x64xbf16, #tpu.memory_space<vmem>>, %arg8: memref<1x64xbf16, #tpu.memory_space<vmem>>, %arg9: memref<64x64xbf16, #tpu.memory_space<vmem>>, %arg10: memref<64x64xbf16, #tpu.memory_space<vmem>>, %arg11: memref<1x64xbf16, #tpu.memory_space<vmem>>, %arg12: memref<1x64xbf16, #tpu.memory_space<vmem>>, %arg13: memref<1x1xf32, #tpu.memory_space<vmem>>, %arg14: memref<128x64xf32, #tpu.memory_space<vmem>>) attributes {dimension_semantics = [#tpu.dimension_semantics<arbitrary>], iteration_bounds = array<i64: 16>, scalar_prefetch = 0 : i64, scratch_operands = 0 : i64, tpu.core_type = #tpu.core_type<tc>, window_params = [{transform_indices = @transform_0, window_bounds = array<i64: 50, 128, 128>}, {transform_indices = @transform_1, window_bounds = array<i64: 128, 128>}, {transform_indices = @transform_2, window_bounds = array<i64: 50, 128, 8>}, {pipeline_mode = #tpu.pipeline_mode<synchronous>, transform_indices = @transform_3, window_bounds = array<i64: 8, 64>}, {pipeline_mode = #tpu.pipeline_mode<synchronous>, transform_indices = @transform_4, window_bounds = array<i64: 64, 64>}, {pipeline_mode = #tpu.pipeline_mode<synchronous>, transform_indices = @transform_5, window_bounds = array<i64: 1, 64>}, {pipeline_mode = #tpu.pipeline_mode<synchronous>, transform_indices = @transform_6, window_bounds = array<i64: 64, 64>}, {pipeline_mode = #tpu.pipeline_mode<synchronous>, transform_indices = @transform_7, window_bounds = array<i64: 1, 64>}, {pipeline_mode = #tpu.pipeline_mode<synchronous>, transform_indices = @transform_8, window_bounds = array<i64: 64, 64>}, {pipeline_mode = #tpu.pipeline_mode<synchronous>, transform_indices = @transform_9, window_bounds = array<i64: 64, 64>}, {pipeline_mode = #tpu.pipeline_mode<synchronous>, transform_indices = @transform_10, window_bounds = array<i64: 1, 64>}, {pipeline_mode = #tpu.pipeline_mode<synchronous>, transform_indices = @transform_11, window_bounds = array<i64: 1, 64>}, {pipeline_mode = #tpu.pipeline_mode<synchronous>, transform_indices = @transform_12, window_bounds = array<i64: 1, 1>}, {transform_indices = @transform_13, window_bounds = array<i64: 128, 64>}]} {
    %get3A = arith.constant 0 : index
    %get3A_0 = arith.constant 0 : index
    %get3A_1 = arith.constant 0 : index
    %get3A_2 = vector.load %arg1[%get3A, %get3A_0, %get3A_1] : memref<50x128x128xf32, #tpu.memory_space<vmem>>, vector<50x128x128xf32>
    %slice3A = vector.extract_strided_slice %get3A_2 {offsets = [0, 0, 0], sizes = [50, 128, 64], strides = [1, 1, 1]} : vector<50x128x128xf32> to vector<50x128x64xf32>
    %reshape3A = vector.shape_cast %slice3A : vector<50x128x64xf32> to vector<6400x64xf32>
    %convert_element_type3A = arith.truncf %reshape3A : vector<6400x64xf32> to vector<6400x64xbf16>
    %get3A_3 = arith.constant 0 : index
    %get3A_4 = arith.constant 0 : index
    %get3A_5 = vector.load %arg4[%get3A_3, %get3A_4] : memref<8x64xf32, #tpu.memory_space<vmem>>, vector<8x64xf32>
    %get3A_6 = arith.constant 0 : index
    %get3A_7 = arith.constant 0 : index
    %get3A_8 = vector.load %arg5[%get3A_6, %get3A_7] : memref<64x64xf32, #tpu.memory_space<vmem>>, vector<64x64xf32>
    %dot_general3A = arith.constant dense<0.000000e+00> : vector<8x64xf32>
    %dot_general3A_9 = tpu.matmul %get3A_5, %get3A_8, %dot_general3A {dimension_numbers = #tpu.dot_dimension_numbers<[1], [0], [0], [1], [0, 0, 1, 1], [], []>, transpose_lhs_hint = false} : vector<8x64xf32>, vector<64x64xf32>, vector<8x64xf32> -> vector<8x64xf32>
    %get3A_10 = arith.constant 0 : index
    %get3A_11 = arith.constant 0 : index
    %get3A_12 = vector.load %arg6[%get3A_10, %get3A_11] : memref<1x64xf32, #tpu.memory_space<vmem>>, vector<1x64xf32>
    %add3A = vector.broadcast %get3A_12 : vector<1x64xf32> to vector<8x64xf32>
    %add3A_13 = arith.addf %dot_general3A_9, %add3A : vector<8x64xf32>
    %convert_element_type3A_14 = arith.truncf %add3A_13 : vector<8x64xf32> to vector<8x64xbf16>
    %get3A_15 = arith.constant 0 : index
    %get3A_16 = arith.constant 0 : index
    %get3A_17 = arith.constant 0 : index
    %get3A_18 = vector.load %arg3[%get3A_15, %get3A_16, %get3A_17] : memref<50x128x8xi8, #tpu.memory_space<vmem>>, vector<50x128x8xi8>
    %reshape3A_19 = vector.shape_cast %get3A_18 : vector<50x128x8xi8> to vector<6400x8xi8>
    %convert_element_type3A_20 = arith.sitofp %reshape3A_19 : vector<6400x8xi8> to vector<6400x8xbf16>
    %dot_general3A_21 = arith.constant dense<0.000000e+00> : vector<6400x64xf32>
    %dot_general3A_22 = tpu.matmul %convert_element_type3A_20, %convert_element_type3A_14, %dot_general3A_21 {dimension_numbers = #tpu.dot_dimension_numbers<[1], [0], [0], [1], [0, 0, 1, 1], [], []>, transpose_lhs_hint = false} : vector<6400x8xbf16>, vector<8x64xbf16>, vector<6400x64xf32> -> vector<6400x64xf32>
    %convert_element_type3A_23 = arith.truncf %dot_general3A_22 : vector<6400x64xf32> to vector<6400x64xbf16>
    %add3A_24 = arith.addf %convert_element_type3A, %convert_element_type3A_23 : vector<6400x64xbf16>
    %max3A = arith.constant 0.000000e+00 : bf16
    %max3A_25 = vector.broadcast %max3A : bf16 to vector<6400x64xbf16>
    %max3A_26 = arith.maximumf %add3A_24, %max3A_25 : vector<6400x64xbf16>
    %get3A_27 = arith.constant 0 : index
    %get3A_28 = arith.constant 0 : index
    %get3A_29 = vector.load %arg7[%get3A_27, %get3A_28] : memref<64x64xbf16, #tpu.memory_space<vmem>>, vector<64x64xbf16>
    %dot_general3A_30 = arith.constant dense<0.000000e+00> : vector<6400x64xf32>
    %dot_general3A_31 = tpu.matmul %max3A_26, %get3A_29, %dot_general3A_30 {dimension_numbers = #tpu.dot_dimension_numbers<[1], [0], [0], [1], [0, 0, 1, 1], [], []>, transpose_lhs_hint = false} : vector<6400x64xbf16>, vector<64x64xbf16>, vector<6400x64xf32> -> vector<6400x64xf32>
    %convert_element_type3A_32 = arith.truncf %dot_general3A_31 : vector<6400x64xf32> to vector<6400x64xbf16>
    %get3A_33 = arith.constant 0 : index
    %get3A_34 = arith.constant 0 : index
    %get3A_35 = vector.load %arg8[%get3A_33, %get3A_34] : memref<1x64xbf16, #tpu.memory_space<vmem>>, vector<1x64xbf16>
    %add3A_36 = vector.broadcast %get3A_35 : vector<1x64xbf16> to vector<6400x64xbf16>
    %add3A_37 = arith.addf %convert_element_type3A_32, %add3A_36 : vector<6400x64xbf16>
    %max3A_38 = arith.constant 0.000000e+00 : bf16
    %max3A_39 = vector.broadcast %max3A_38 : bf16 to vector<6400x64xbf16>
    %max3A_40 = arith.maximumf %add3A_37, %max3A_39 : vector<6400x64xbf16>
    %get3A_41 = arith.constant 0 : index
    %get3A_42 = arith.constant 0 : index
    %get3A_43 = vector.load %arg2[%get3A_41, %get3A_42] : memref<128x128xf32, #tpu.memory_space<vmem>>, vector<128x128xf32>
    %slice3A_44 = vector.extract_strided_slice %get3A_43 {offsets = [0, 64], sizes = [128, 64], strides = [1, 1]} : vector<128x128xf32> to vector<128x64xf32>
    %convert_element_type3A_45 = arith.truncf %slice3A_44 : vector<128x64xf32> to vector<128x64xbf16>
    %broadcast_in_dim3A = vector.shape_cast %convert_element_type3A_45 : vector<128x64xbf16> to vector<1x128x64xbf16>
    %broadcast_in_dim3A_46 = vector.shape_cast %broadcast_in_dim3A : vector<1x128x64xbf16> to vector<1x128x64xbf16>
    %broadcast_in_dim3A_47 = vector.broadcast %broadcast_in_dim3A_46 : vector<1x128x64xbf16> to vector<50x128x64xbf16>
    %reshape3A_48 = vector.shape_cast %broadcast_in_dim3A_47 : vector<50x128x64xbf16> to vector<6400x64xbf16>
    %get3A_49 = arith.constant 0 : index
    %get3A_50 = arith.constant 0 : index
    %get3A_51 = vector.load %arg9[%get3A_49, %get3A_50] : memref<64x64xbf16, #tpu.memory_space<vmem>>, vector<64x64xbf16>
    %dot_general3A_52 = arith.constant dense<0.000000e+00> : vector<6400x64xf32>
    %dot_general3A_53 = tpu.matmul %max3A_40, %get3A_51, %dot_general3A_52 {dimension_numbers = #tpu.dot_dimension_numbers<[1], [0], [0], [1], [0, 0, 1, 1], [], []>, transpose_lhs_hint = false} : vector<6400x64xbf16>, vector<64x64xbf16>, vector<6400x64xf32> -> vector<6400x64xf32>
    %convert_element_type3A_54 = arith.truncf %dot_general3A_53 : vector<6400x64xf32> to vector<6400x64xbf16>
    %add3A_55 = arith.addf %convert_element_type3A_54, %reshape3A_48 : vector<6400x64xbf16>
    %max3A_56 = arith.constant 0.000000e+00 : bf16
    %max3A_57 = vector.broadcast %max3A_56 : bf16 to vector<6400x64xbf16>
    %max3A_58 = arith.maximumf %add3A_55, %max3A_57 : vector<6400x64xbf16>
    %get3A_59 = arith.constant 0 : index
    %get3A_60 = arith.constant 0 : index
    %get3A_61 = vector.load %arg10[%get3A_59, %get3A_60] : memref<64x64xbf16, #tpu.memory_space<vmem>>, vector<64x64xbf16>
    %dot_general3A_62 = arith.constant dense<0.000000e+00> : vector<6400x64xf32>
    %dot_general3A_63 = tpu.matmul %max3A_58, %get3A_61, %dot_general3A_62 {dimension_numbers = #tpu.dot_dimension_numbers<[1], [0], [0], [1], [0, 0, 1, 1], [], []>, transpose_lhs_hint = false} : vector<6400x64xbf16>, vector<64x64xbf16>, vector<6400x64xf32> -> vector<6400x64xf32>
    %convert_element_type3A_64 = arith.truncf %dot_general3A_63 : vector<6400x64xf32> to vector<6400x64xbf16>
    %get3A_65 = arith.constant 0 : index
    %get3A_66 = arith.constant 0 : index
    %get3A_67 = vector.load %arg11[%get3A_65, %get3A_66] : memref<1x64xbf16, #tpu.memory_space<vmem>>, vector<1x64xbf16>
    %add3A_68 = vector.broadcast %get3A_67 : vector<1x64xbf16> to vector<6400x64xbf16>
    %add3A_69 = arith.addf %convert_element_type3A_64, %add3A_68 : vector<6400x64xbf16>
    %max3A_70 = arith.constant 0.000000e+00 : bf16
    %max3A_71 = vector.broadcast %max3A_70 : bf16 to vector<6400x64xbf16>
    %max3A_72 = arith.maximumf %add3A_69, %max3A_71 : vector<6400x64xbf16>
    %get3A_73 = arith.constant 0 : index
    %get3A_74 = arith.constant 0 : index
    %get3A_75 = vector.load %arg12[%get3A_73, %get3A_74] : memref<1x64xbf16, #tpu.memory_space<vmem>>, vector<1x64xbf16>
    %mul3A = vector.broadcast %get3A_75 : vector<1x64xbf16> to vector<6400x64xbf16>
    %mul3A_76 = arith.mulf %max3A_72, %mul3A : vector<6400x64xbf16>
    %convert_element_type3A_77 = arith.extf %mul3A_76 : vector<6400x64xbf16> to vector<6400x64xf32>
    %reduce_sum3A = arith.constant dense<0.000000e+00> : vector<6400xf32>
    %reduce_sum3A_78 = vector.multi_reduction <add>, %convert_element_type3A_77, %reduce_sum3A [1] : vector<6400x64xf32> to vector<6400xf32>
    %broadcast_in_dim3A_79 = vector.shape_cast %reduce_sum3A_78 : vector<6400xf32> to vector<6400x1xf32>
    %get3A_80 = arith.constant 0 : index
    %get3A_81 = arith.constant 0 : index
    %get3A_82 = vector.load %arg13[%get3A_80, %get3A_81] : memref<1x1xf32, #tpu.memory_space<vmem>>, vector<1x1xf32>
    %add3A_83 = vector.broadcast %get3A_82 : vector<1x1xf32> to vector<6400x1xf32>
    %add3A_84 = arith.addf %broadcast_in_dim3A_79, %add3A_83 : vector<6400x1xf32>
    %reshape3A_85 = vector.shape_cast %add3A_84 : vector<6400x1xf32> to vector<50x128x1xf32>
    %reduce_max3A = arith.constant dense<0xFF800000> : vector<128x1xf32>
    %reduce_max3A_86 = vector.multi_reduction <maximumf>, %reshape3A_85, %reduce_max3A [0] : vector<50x128x1xf32> to vector<128x1xf32>
    %broadcast_in_dim3A_87 = vector.shape_cast %reduce_max3A_86 : vector<128x1xf32> to vector<1x128x1xf32>
    %sub3A = vector.broadcast %broadcast_in_dim3A_87 : vector<1x128x1xf32> to vector<50x128x1xf32>
    %sub3A_88 = arith.subf %reshape3A_85, %sub3A : vector<50x128x1xf32>
    %exp3A = math.exp %sub3A_88 : vector<50x128x1xf32>
    %reduce_sum3A_89 = arith.constant dense<0.000000e+00> : vector<128x1xf32>
    %reduce_sum3A_90 = vector.multi_reduction <add>, %exp3A, %reduce_sum3A_89 [0] : vector<50x128x1xf32> to vector<128x1xf32>
    %reshape3A_91 = vector.shape_cast %max3A_40 : vector<6400x64xbf16> to vector<50x128x64xbf16>
    %convert_element_type3A_92 = arith.extf %reshape3A_91 : vector<50x128x64xbf16> to vector<50x128x64xf32>
    %mul3A_93 = vector.broadcast %exp3A : vector<50x128x1xf32> to vector<50x128x64xf32>
    %mul3A_94 = arith.mulf %convert_element_type3A_92, %mul3A_93 : vector<50x128x64xf32>
    %reduce_sum3A_95 = arith.constant dense<0.000000e+00> : vector<128x64xf32>
    %reduce_sum3A_96 = vector.multi_reduction <add>, %mul3A_94, %reduce_sum3A_95 [0] : vector<50x128x64xf32> to vector<128x64xf32>
    %div3A = vector.broadcast %reduce_sum3A_90 : vector<128x1xf32> to vector<128x64xf32>
    %div3A_97 = arith.divf %reduce_sum3A_96, %div3A : vector<128x64xf32>
    %swap3A = arith.constant 0 : index
    %swap3A_98 = arith.constant 0 : index
    %swap3A_99 = vector.load %arg14[%swap3A, %swap3A_98] : memref<128x64xf32, #tpu.memory_space<vmem>>, vector<128x64xf32>
    tpu.vector_store %arg14[%swap3A, %swap3A_98], %div3A_97 {strides = array<i32>} : memref<128x64xf32, #tpu.memory_space<vmem>>, vector<128x64xf32>,
    return
  }
  func.func @transform_0(%arg0: i32) -> (i32, i32, i32) {
    %c0_i32 = arith.constant 0 : i32
    %c0_i32_0 = arith.constant 0 : i32
    %c0_i32_1 = arith.constant 0 : i32
    return %c0_i32, %arg0, %c0_i32_0 : i32, i32, i32
  }
  func.func @transform_1(%arg0: i32) -> (i32, i32) {
    %c0_i32 = arith.constant 0 : i32
    %c0_i32_0 = arith.constant 0 : i32
    return %arg0, %c0_i32 : i32, i32
  }
  func.func @transform_2(%arg0: i32) -> (i32, i32, i32) {
    %c0_i32 = arith.constant 0 : i32
    %c0_i32_0 = arith.constant 0 : i32
    %c0_i32_1 = arith.constant 0 : i32
    return %c0_i32, %arg0, %c0_i32_0 : i32, i32, i32
  }
  func.func @transform_3(%arg0: i32) -> (i32, i32) {
    %c0_i32 = arith.constant 0 : i32
    %c0_i32_0 = arith.constant 0 : i32
    %c0_i32_1 = arith.constant 0 : i32
    return %c0_i32, %c0_i32_0 : i32, i32
  }
  func.func @transform_4(%arg0: i32) -> (i32, i32) {
    %c0_i32 = arith.constant 0 : i32
    %c0_i32_0 = arith.constant 0 : i32
    %c0_i32_1 = arith.constant 0 : i32
    return %c0_i32, %c0_i32_0 : i32, i32
  }
  func.func @transform_5(%arg0: i32) -> (i32, i32) {
    %c0_i32 = arith.constant 0 : i32
    %c0_i32_0 = arith.constant 0 : i32
    %c0_i32_1 = arith.constant 0 : i32
    return %c0_i32, %c0_i32_0 : i32, i32
  }
  func.func @transform_6(%arg0: i32) -> (i32, i32) {
    %c0_i32 = arith.constant 0 : i32
    %c0_i32_0 = arith.constant 0 : i32
    %c0_i32_1 = arith.constant 0 : i32
    return %c0_i32, %c0_i32_0 : i32, i32
  }
  func.func @transform_7(%arg0: i32) -> (i32, i32) {
    %c0_i32 = arith.constant 0 : i32
    %c0_i32_0 = arith.constant 0 : i32
    %c0_i32_1 = arith.constant 0 : i32
    return %c0_i32, %c0_i32_0 : i32, i32
  }
  func.func @transform_8(%arg0: i32) -> (i32, i32) {
    %c0_i32 = arith.constant 0 : i32
    %c0_i32_0 = arith.constant 0 : i32
    %c0_i32_1 = arith.constant 0 : i32
    return %c0_i32, %c0_i32_0 : i32, i32
  }
  func.func @transform_9(%arg0: i32) -> (i32, i32) {
    %c0_i32 = arith.constant 0 : i32
    %c0_i32_0 = arith.constant 0 : i32
    %c0_i32_1 = arith.constant 0 : i32
    return %c0_i32, %c0_i32_0 : i32, i32
  }
  func.func @transform_10(%arg0: i32) -> (i32, i32) {
    %c0_i32 = arith.constant 0 : i32
    %c0_i32_0 = arith.constant 0 : i32
    %c0_i32_1 = arith.constant 0 : i32
    return %c0_i32, %c0_i32_0 : i32, i32
  }
  func.func @transform_11(%arg0: i32) -> (i32, i32) {
    %c0_i32 = arith.constant 0 : i32
    %c0_i32_0 = arith.constant 0 : i32
    %c0_i32_1 = arith.constant 0 : i32
    return %c0_i32, %c0_i32_0 : i32, i32
  }
  func.func @transform_12(%arg0: i32) -> (i32, i32) {
    %c0_i32 = arith.constant 0 : i32
    %c0_i32_0 = arith.constant 0 : i32
    %c0_i32_1 = arith.constant 0 : i32
    return %c0_i32, %c0_i32_0 : i32, i32
  }
  func.func @transform_13(%arg0: i32) -> (i32, i32) {
    %c0_i32 = arith.constant 0 : i32
    %c0_i32_0 = arith.constant 0 : i32
    return %arg0, %c0_i32 : i32, i32
  }
}

</mosaic_0001>

<sc_bundles>
// kernel: kernel.10.cloned.1.call-start
scs
__scs_entry_jumppad:
0x0: {  	(pc) =	sbr.rel $0x88, $3  }
0x1: {  	(tag) =	ssettag $0x0;
	lr =	simm.s32 $0x1  }
0x2: {  	[smem:$0x3F91] =	sst lr;
	_ =	strace $0xD0000000  }
0x3: {  	_ = 	snop  }
0x4: {  	_ = 	snop  }
0x5: {  	_ = 	snop  }
0x6: {  	_ = 	snop  }
0x7: {  	_ = 	snop  }
__scs_overlays_trampoline_lowered:
0x8: {  	[smem:$0x3FA0] =	sst s0  }
0x9: {  	[smem:$0x3FA1] =	sst s1  }
0xa: {  	[smem:$0x3FA2] =	sst s2  }
0xb: {  	[smem:$0x3FA3] =	sst s3  }
0xc: {  	[smem:$0x3FA4] =	sst s4  }
0xd: {  	[smem:$0x3FA5] =	sst s5  }
0xe: {  	[smem:$0x3FA6] =	sst s6  }
0xf: {  	[smem:$0x3FA7] =	sst s7  }
0x10: {  	[smem:$0x3FA8] =	sst s8  }
0x11: {  	[smem:$0x3FA9] =	sst s9;
	s0 =	simm.s32 @!p0 $0x0  }
0x12: {  	s1 =	sld [smem:$0x3F8F];
	s0 =	simm.s32 @p0 $0x1  }
0x13: {  	[smem:$0x3FAA] =	sst s0;
	s0 =	simm.s32 @!p1 $0x0  }
0x14: {  	s2 =	sld [smem:$0x3F8E];
	s0 =	simm.s32 @p1 $0x1  }
0x15: {  	[smem:$0x3FAB] =	sst s0;
	s0 =	simm.s32 @!p2 $0x0  }
0x16: {  	s3 =	sld [smem:$0x3FDB];
	s0 =	simm.s32 @p2 $0x1  }
0x17: {  	s4 =	simm.s32 $0x1BF5;
	[smem:$0x3FAD] =	sst s0  }
0x18: {  	s0 =	sld [smem:$0x3F90];
	_ =	swait.ge [sflag:s4], $0x0  }
0x19: {  	s7 =	sld [smem:$0x3F91]  }
0x1a: {  	s8 =	sadd.s32 $0xFFFFE003, lr  }
0x1b: {  	s9 =	sadd.s32 $0xFFFFFEF7, lr;
	s5 =	simm.s32 $0xFFFFFFFF;
	p2 =	slt.u32 s8, $0xFFFFF086  }
0x1c: {  	p1 =	slt.u32 s9, $0xF7A;
	s5 =	simm.s32 @!p2 $0x0  }
0x1d: {  	s5 =	simm.s32 @p1 $0x1;
	p0 =	seq.s32 s7, s2  }
0x1e: {  	s7 =	smul.u32 @!p0 $0xF7A, s2;
	p2 =	seq.s32 @!p0 s5, $0x0  }
0x1f: {  	s9 =	smul.u32 $0xF7A, s1;
	s8 =	simm.s32 @!p0 $0x1BF5;
	p2 =	por !p2, p0  }
0x20: {  	[sflag:s8] =	ssyncset.s32 @!p0 $0xFFFFF086;
	s6 =	sadd.s32 @!p0 s3, s7;
	s7 =	simm.s32 @!p0 $0x108  }
0x21: {  	s3 =	sadd.s32 s3, s9;
	s6 =	sadd.s32 @!p0 $0x88, s6;
	s7 =	simm.s32 @p2 $0x1082  }
0x22: {  	[simem:s7], [sflag:s8] =	dma.local @!p0 [hbm:s6], $0xF7A  }
0x23: {  	s9 =	sor.u32 $0xD0000000, s2;
	s6 =	simm.s32 $0x108;
	_ =	swait.ge @!p0 [sflag:s8], $0x0  }
0x24: {  	s3 =	sadd.s32 $0x88, s3;
	s6 =	simm.s32 @!p1 $0x1082;
	[sflag:s4] =	ssyncset.s32 $0xFFFFF086  }
0x25: {  	[simem:s6], [sflag:s4] =	dma.local [hbm:s3], $0xF7A  }
0x26: {  	[smem:$0x3F91] =	sst s1;
	(tag) =	ssettag s2;
	_ =	strace s9  }
0x27: {  	s1 =	sld [smem:$0x3FA1]  }
0x28: {  	s2 =	sld [smem:$0x3FA2]  }
0x29: {  	s4 =	sld [smem:$0x3FA4]  }
0x2a: {  	p0 =	seq.s32 s5, $0x0;
	s5 =	sld [smem:$0x3FA5]  }
0x2b: {  	s6 =	sld [smem:$0x3FA6]  }
0x2c: {  	s7 =	sld [smem:$0x3FA7]  }
0x2d: {  	s3 =	simm.s32 $0x108;
	s8 =	sld [smem:$0x3FA8]  }
0x2e: {  	s3 =	simm.s32 @!p0 $0x1082;
	s9 =	sld [smem:$0x3FA9]  }
0x2f: {  	lr =	sadd.s32 s0, s3;
	s0 =	sld [smem:$0x3FA0]  }
0x30: {  	s3 =	sld [smem:$0x3FA3]  }
0x31: {  	[smem:$0x3FAC] =	sst s10  }
0x32: {  	s10 =	sld [smem:$0x3FAA];
	_ =	sdelay $0x3  }
0x33: {  	p0 =	seq.s32 s10, $0x1;
	s10 =	sld [smem:$0x3FAC];
	_ =	sdelay $0x3  }
0x34: {  	[smem:$0x3FAC] =	sst s10  }
0x35: {  	s10 =	sld [smem:$0x3FAB];
	_ =	sdelay $0x3  }
0x36: {  	p1 =	seq.s32 s10, $0x1;
	s10 =	sld [smem:$0x3FAC];
	_ =	sdelay $0x3  }
0x37: {  	[smem:$0x3FAC] =	sst s10  }
0x38: {  	s10 =	sld [smem:$0x3FAD]  }
0x39: {  	_ = 	snop;
	(pc) =	sbr.ind lr, $3  }
0x3a: {  	_ = 	snop  }
0x3b: {  	_ = 	snop  }
0x3c: {  	p2 =	seq.s32 s10, $0x1;
	s10 =	sld [smem:$0x3FAC]  }
0x3d: {  	_ =	shalt  }
0x3e: {  	_ =	shalt  }
0x3f: {  	_ =	shalt  }
0x40: {  	_ =	shalt  }
0x41: {  	_ =	shalt  }
0x42: {  	_ =	shalt  }
0x43: {  	_ =	shalt  }
0x44: {  	_ =	shalt  }
0x45: {  	_ =	shalt  }
0x46: {  	_ =	shalt  }
0x47: {  	_ =	shalt  }
0x48: {  	_ =	shalt  }
0x49: {  	_ =	shalt  }
0x4a: {  	_ =	shalt  }
0x4b: {  	_ =	shalt  }
0x4c: {  	_ =	shalt  }
0x4d: {  	_ =	shalt  }
0x4e: {  	_ =	shalt  }
0x4f: {  	_ =	shalt  }
0x50: {  	_ =	shalt  }
0x51: {  	_ =	shalt  }
0x52: {  	_ =	shalt  }
0x53: {  	_ =	shalt  }
0x54: {  	_ =	shalt  }
0x55: {  	_ =	shalt  }
0x56: {  	_ =	shalt  }
0x57: {  	_ =	shalt  }
0x58: {  	_ =	shalt  }
0x59: {  	_ =	shalt  }
0x5a: {  	_ =	shalt  }
0x5b: {  	_ =	shalt  }
0x5c: {  	_ =	shalt  }
0x5d: {  	_ =	shalt  }
0x5e: {  	_ =	shalt  }
0x5f: {  	_ =	shalt  }
0x60: {  	_ =	shalt  }
0x61: {  	_ =	shalt  }
0x62: {  	_ =	shalt  }
0x63: {  	_ =	shalt  }
0x64: {  	_ =	shalt  }
0x65: {  	_ =	shalt  }
0x66: {  	_ =	shalt  }
0x67: {  	_ =	shalt  }
0x68: {  	_ =	shalt  }
0x69: {  	_ =	shalt  }
0x6a: {  	_ =	shalt  }
0x6b: {  	_ =	shalt  }
0x6c: {  	_ =	shalt  }
0x6d: {  	_ =	shalt  }
0x6e: {  	_ =	shalt  }
0x6f: {  	_ =	shalt  }
0x70: {  	_ =	shalt  }
0x71: {  	_ =	shalt  }
0x72: {  	_ =	shalt  }
0x73: {  	_ =	shalt  }
0x74: {  	_ =	shalt  }
0x75: {  	_ =	shalt  }
0x76: {  	_ =	shalt  }
0x77: {  	_ =	shalt  }
0x78: {  	_ =	shalt  }
0x79: {  	_ =	shalt  }
0x7a: {  	_ =	shalt  }
0x7b: {  	_ =	shalt  }
0x7c: {  	_ =	shalt  }
0x7d: {  	_ =	shalt  }
0x7e: {  	_ =	shalt  }
0x7f: {  	_ =	shalt  }
0x80: {  	_ =	shalt  }
0x81: {  	_ =	shalt  }
0x82: {  	_ =	shalt  }
0x83: {  	_ =	shalt  }
0x84: {  	_ =	shalt  }
0x85: {  	_ =	shalt  }
0x86: {  	_ =	shalt  }
0x87: {  	_ =	shalt  }
.Lfunc_end0:
.L_simem_size_0:
called_computation.1_lowered:
.L_overlay_start_0:
0x88: {  	s2 =	sld [smem:$0x3FD9]  }
0x89: {  	s3 =	sld [smem:$0x3FFE];
	_ =	sdelay $0x1  }
0x8a: {  	s1 =	srdreg.scid  }
0x8b: {  	s0 =	sand.u32 $0x1, s1  }
0x8c: {  	s16 =	sshll.u32 s0, $0xA;
	s2 =	sadd.s32 s3, s2  }
0x8d: {  	s2 =	sadd.s32 s2, s16  }
0x8e: {  	[smem:$0x3FB8] =	sst s2  }
0x8f: {  	_ = 	snop  }
0x90: {  	(tm) =	ssettm $0x1  }
0x91: {  	s17 =	sld [smem:$0x3FFB];
	_ =	sdelay $0x3  }
0x92: {  	_ =	strace s17  }
0x93: {  	s2 =	sld [smem:$0x3FFC];
	_ =	sdelay $0x3  }
0x94: {  	_ =	strace s2  }
0x95: {  	s2 =	sld [smem:$0x3FFD];
	_ =	sdelay $0x3  }
0x96: {  	_ =	strace s2  }
0x97: {  	_ =	strace $0x8FFFFFFF  }
0x98: {  	s18 =	sld [smem:$0x3FDB];
	_ =	sdelay $0x1  }
0x99: {  	s19 =	simm.s32 $_scs_section_size  }
0x9a: {  	s4 =	simm.s32 $_size__tile_overlayer_lowered;
	s5 =	simm.s32 $_tile_overlayer_lowered  }
0x9b: {  	s22 =	simm.s32 $0x1BFF;
	s21 =	sshll.u32 s5, $0x1;
	s2 =	sadd.s32 s19, s18  }
0x9c: {  	s6 =	simm.s32 $0x0;
	s20 =	sshll.u32 s4, $0x1;
	s4 =	sadd.s32 s21, s2  }
0x9d: {  	[timem:s6], [sflag:s22] =	dma.local [hbm:s4], s20  }
0x9e: {  	_ =	swait.ge [sflag:s22], s20  }
0x9f: {  	s3 =	ssub.s32 $0x0, s20;
	[sflag:s22] =	ssyncset.done $0x0  }
0xa0: {  	[sflag:s22] =	ssyncadd.s32 s3;
	_ =	sdelay $0x1  }
0xa1: {  	s23 =	simm.s32 $0x1B8B  }
0xa2: {  	_ =	swait.ge [sflag:s23], $0x1  }
0xa3: {  	[sflag:s23] =	ssyncset.done $0x0  }
0xa4: {  	s25 =	simm.s32 $0x1B8E;
	s24 =	sld [smem:$0x3FFE];
	[sflag:s23] =	ssyncadd.s32 $0xFFFFFFFF  }
0xa5: {  	s26 =	simm.s32 $execute0_lowered;
	[smem:$0x3FD2] =	sst s25  }
0xa6: {  	s4 =	sshll.u32 s26, $0x1;
	_ =	strace $0x80000046;
	[dreg:$0x1] =	wrdreg $0xFFFFFFFF  }
0xa7: {  	s28 =	simm.s32 $_size_execute0_lowered;
	s2 =	sadd.s32 s2, s4;
	[dreg:$0x0] =	wrdreg $0x0  }
0xa8: {  	s4 =	sshll.u32 s28, $0x1;
	[dreg:$0x2] =	wrdreg s2  }
0xa9: {  	[dreg:$0x3] =	wrdreg s4  }
0xaa: {  	[dreg:$0x4] =	wrdreg $0xC0  }
0xab: {  	_ =	task [dreg:s6], $0x5FFFF  }
0xac: {  	[dreg:$0x1] =	wrdreg $0xFFFFFFFF  }
0xad: {  	[dreg:$0x0] =	wrdreg $0x60  }
0xae: {  	[dreg:$0x2] =	wrdreg s24  }
0xaf: {  	[dreg:$0x3] =	wrdreg $0xA  }
0xb0: {  	_ =	task.clear_ibuf [dreg:s6], $0x4FFFF;
	_ =	strace $0x90000046  }
0xb1: {  	s29 =	simm.s32 $0xA;
	_ =	strace $0x80000048  }
0xb2: {  	_ =	swait.ge [sflag:s29], $0x1  }
0xb3: {  	[sflag:s29] =	ssyncadd.s32 $0xFFFFFFFF  }
0xb4: {  	_ =	strace $0x90000048  }
0xb5: {  	_ =	sfence  }
0xb6: {  	s30 =	sld [smem:$0x0];
	_ =	sdelay $0x2  }
0xb7: {  	s31 =	sshll.u32 s1, $0xD;
	s1 =	sshrl.u32 s1, $0x2  }
0xb8: {  	s3 =	sand.u32 $0x4000, s31;
	s1 =	sadd.s32 s1, s30  }
0xb9: {  	s0 =	sor.u32 s3, s0;
	s1 =	sshll.u32 s1, $0x11  }
0xba: {  	s0 =	sor.u32 s1, s0  }
0xbb: {  	s0 =	sadd.s32 $0x8F2B, s0  }
0xbc: {  	[sflag:s0] =	ssyncadd.remote.s32 $0x1  }
0xbd: {  	_ =	sfence.sel $0xFFFF  }
0xbe: {  	[dreg:$0x0] =	wrdreg $0xFFFFFFFF;
	(pc) =	sbr.abs _section_cstart, $3  }
0xbf: {  	[dreg:$0x1] =	wrdreg $0xFFFFFFFF  }
0xc0: {  	_ =	task.clear_ibuf [dreg:s6], $0x2FFFF;
	_ =	strace $0x9FFFFFFF  }
0xc1: {  	(tm) =	ssettm $0x7FFFFFFF  }
tec
execute0_lowered:
.L_overlay_start_1:
0x0: {  	(tag) =	ssettag $0x1  }
0x1: {  	s0 =	srdreg.scid  }
0x2: {  	s12 =	stileid.u32;
	s1 =	rddreg [dreg:$0x0];
	s2 =	simm.s32 $0x0  }
0x3: {  	s16 =	simm.s32 $0x6;
	s17 =	simm.s32 $0xC80;
	s19 =	simm.s32 $0x8D00  }
0x4: {  	s20 =	simm.s32 $0x80;
	s21 =	simm.s32 $0xD00;
	s22 =	simm.s32 $0x1  }
0x5: {  	s23 =	simm.s32 $0x4D00;
	s28 =	simm.s32 $0x4;
	s14 =	smul.u32 $0xC8000, s12  }
0x6: {  	s31 =	simm.s32 $0x5;
	s0 =	sand.u32 $0x1, s0;
	s15 =	smul.u32 $0x19000, s12  }
0x7: {  	s3 =	sshll.u32 s12, $0x1;
	[smem:$0x7FF] =	sst s2;
	s30 =	smul.u32 $0x64000, s0  }
0x8: {  	s6 =	sor.u32 s0, s3;
	s24 =	ssub.s32 $0x2, s0;
	s0 =	smul.u32 $0xC800, s0  }
0x9: {  	_ =	strace $0x80000047;
	s3 =	sadd.s32 $0x6A00, s1;
	s4 =	smul.u32 $0xC80, s6  }
0xa: {  	s5 =	sshll.u32 s6, $0x3;
	s9 =	sshll.u32 s6, $0xA;
	s11 =	smul.u32 $0x64000, s6  }
0xb: {  	s10 =	sshrl.u32 s24, $0x1;
	s29 =	smul.u32 $0xC800, s6;
	s8 =	sadd.s32 s5, s1  }
0xc: {  	s10 =	ssub.s32 s24, s10;
	s24 =	simm.s32 $0x3;
	s4 =	sshrl.u32 s4, $0x3  }
0xd: {  	s26 =	sshrl.u32 s11, $0x3;
	s6 =	sadd.s32 $0x3400, s8;
	s10 =	smax.u32 s10, $0x1  }
0xe: {  	s7 =	sadd.s32 s4, s1;
	s4 =	sadd.s32 $0x195400, s1;
	s1 =	sadd.s32 s9, s1  }
0xf: {  	s25 =	sadd.s32 $0x3800, s7;
	s7 =	sadd.s32 s4, s26;
	s9 =	sadd.s32 $0x18D400, s1  }
0x10: {  	s13 =	sadd.s32 s4, s29;
	s1 =	sadd.s32 s30, s14;
	s15 =	sadd.s32 s15, s4  }
0x11: {  	s26 =	simm.s32 $0x2;
	[dreg:$0x2] =	wrdreg s25;
	s8 =	sadd.s32 $0xC000, s7  }
0x12: {  	s11 =	sadd.s32 $0x800, s13;
	s12 =	sadd.s32 $0xB000, s7;
	s13 =	sadd.s32 $0xB800, s13  }
0x13: {  	s14 =	sadd.s32 $0x8000, s1;
	s15 =	sadd.s32 s0, s15;
	s1 =	simm.s32 $0x0  }
.LBB2_1:
0x14: {  	s0 =	rddreg [dreg:$0x2]  }
0x15: {  	[tilespmem:s2], [sflag:$0x6] =	stream.linear.gather [hbm4b:s0+s2], $0xC80, $0x38;
	[tilespmem:$0xAD00] =	vst v63  }
0x16: {  	_ =	swait.ge [sflag:s16], $0xC80  }
0x17: {  	[sflag:s16] =	ssyncset.done $0x0  }
0x18: {  	[sflag:s16] =	ssyncadd.s32 $0xFFFFF380  }
0x19: {  	[tilespmem:s17], [sflag:$0x6] =	stream.linear.gather [hbm4b:s6+s2], $0x40, $0x38;
	[tilespmem:$0xAD00] =	vst v63  }
0x1a: {  	_ =	swait.ge [sflag:s16], $0x40  }
0x1b: {  	[sflag:s16] =	ssyncset.done $0x0  }
0x1c: {  	s25 =	simm.s32 $0x40;
	[sflag:s16] =	ssyncadd.s32 $0xFFFFFFC0  }
0x1d: {  	[tilespmem:s19], [sflag:$0x5] =	stream.indirect.gather [hbm4b:s3+s25], $0x80, s17, s25, $0xb8;
	[tilespmem:$0xAD00] =	vst v63  }
0x1e: {  	_ = 	snop  }
0x1f: {  	[tilespmem:s21], [sflag:$0x1] =	stream.indirect.gather [hbm4b:s3+s20], $0x80, s2, s20, $0xb8;
	[tilespmem:$0xAD00] =	vst v63  }
0x20: {  	_ =	swait.ge [sflag:s22], $0x4000  }
0x21: {  	[sflag:s22] =	ssyncset.done $0x0  }
0x22: {  	[sflag:s22] =	ssyncadd.s32 $0xFFFFC000  }
0x23: {  	[tilespmem:s23], [sflag:$0x2] =	stream.indirect.gather [hbm4b:s3+s20], $0x80, s20, s20, $0xb8;
	[tilespmem:$0xAD00] =	vst v63  }
0x24: {  	_ = 	snop  }
0x25: {  	[hbm4b:s7+s2] =	stream.linear.scatter [tilespmem:s21], [sflag:$0x3], $0x4000, $0x38;
	[tilespmem:$0xAD00] =	vst v63  }
0x26: {  	_ =	swait.ge [sflag:s24], $0x4000  }
0x27: {  	[sflag:s24] =	ssyncset.done $0x0  }
0x28: {  	s30 =	simm.s32 $0x100;
	[sflag:s24] =	ssyncadd.s32 $0xFFFFC000  }
0x29: {  	[tilespmem:s21], [sflag:$0x1] =	stream.indirect.gather [hbm4b:s3+s20], $0x80, s30, s20, $0xb8;
	[tilespmem:$0xAD00] =	vst v63  }
0x2a: {  	_ =	swait.ge [sflag:s26], $0x4000  }
0x2b: {  	[sflag:s26] =	ssyncset.done $0x0  }
0x2c: {  	[sflag:s26] =	ssyncadd.s32 $0xFFFFC000  }
0x2d: {  	[hbm4b:s11+s2] =	stream.linear.scatter [tilespmem:s23], [sflag:$0x4], $0x4000, $0x38;
	[tilespmem:$0xAD00] =	vst v63  }
0x2e: {  	_ =	swait.ge [sflag:s22], $0x4000  }
0x2f: {  	[sflag:s22] =	ssyncset.done $0x0  }
0x30: {  	[sflag:s22] =	ssyncadd.s32 $0xFFFFC000  }
0x31: {  	_ =	swait.ge [sflag:s28], $0x4000  }
0x32: {  	[sflag:s28] =	ssyncset.done $0x0  }
0x33: {  	s5 =	simm.s32 $0x180;
	s18 =	sshrl.u32 s14, $0x3;
	[sflag:s28] =	ssyncadd.s32 $0xFFFFC000  }
0x34: {  	[tilespmem:s23], [sflag:$0x2] =	stream.indirect.gather [hbm4b:s3+s20], $0x80, s5, s20, $0xb8;
	[tilespmem:$0xAD00] =	vst v63  }
0x35: {  	s25 =	sadd.s32 s4, s18  }
0x36: {  	[hbm4b:s25+s2] =	stream.linear.scatter [tilespmem:s21], [sflag:$0x3], $0x4000, $0x38;
	[tilespmem:$0xAD00] =	vst v63  }
0x37: {  	_ =	swait.ge [sflag:s24], $0x4000  }
0x38: {  	[sflag:s24] =	ssyncset.done $0x0  }
0x39: {  	s30 =	simm.s32 $0x200;
	[sflag:s24] =	ssyncadd.s32 $0xFFFFC000  }
0x3a: {  	[tilespmem:s21], [sflag:$0x1] =	stream.indirect.gather [hbm4b:s3+s20], $0x80, s30, s20, $0xb8;
	[tilespmem:$0xAD00] =	vst v63  }
0x3b: {  	_ =	swait.ge [sflag:s26], $0x4000  }
0x3c: {  	s29 =	sadd.s32 $0x1800, s15;
	s0 =	simm.s32 $0x2800;
	[sflag:s26] =	ssyncset.done $0x0  }
0x3d: {  	s18 =	sadd.s32 $0x8000, s14;
	s25 =	simm.s32 $0x300;
	[sflag:s26] =	ssyncadd.s32 $0xFFFFC000  }
.LBB2_2:
0x3e: {  	[hbm4b:s29+s2] =	stream.linear.scatter [tilespmem:s23], [sflag:$0x4], $0x4000, $0x38;
	[tilespmem:$0xAD00] =	vst v63  }
0x3f: {  	s29 =	smov.u32 s0  }
0x40: {  	p0 =	sne.s32 s0, $0xA800;
	s0 =	sadd.s32 $0x1000, s0;
	_ =	swait.ge [sflag:s22], $0x4000  }
0x41: {  	[sflag:s22] =	ssyncset.done $0x0  }
0x42: {  	[sflag:s22] =	ssyncadd.s32 $0xFFFFC000  }
0x43: {  	_ =	swait.ge [sflag:s28], $0x4000  }
0x44: {  	[sflag:s28] =	ssyncset.done $0x0  }
0x45: {  	s30 =	sadd.s32 $0xFFFFFF80, s25;
	s5 =	sshrl.u32 s18, $0x3;
	[sflag:s28] =	ssyncadd.s32 $0xFFFFC000  }
0x46: {  	[tilespmem:s23], [sflag:$0x2] =	stream.indirect.gather [hbm4b:s3+s20], $0x80, s30, s20, $0xb8;
	[tilespmem:$0xAD00] =	vst v63  }
0x47: {  	s5 =	sadd.s32 s4, s5  }
0x48: {  	[hbm4b:s5+s2] =	stream.linear.scatter [tilespmem:s21], [sflag:$0x3], $0x4000, $0x38;
	[tilespmem:$0xAD00] =	vst v63  }
0x49: {  	_ =	swait.ge [sflag:s24], $0x4000  }
0x4a: {  	[sflag:s24] =	ssyncset.done $0x0  }
.Ltmp0:
0x4b: {  	[sflag:s24] =	ssyncadd.s32 $0xFFFFC000;
	(pc) =	sbr.rel @p0 .LBB2_2-.Ltmp0, $4  }
0x4c: {  	[tilespmem:s21], [sflag:$0x1] =	stream.indirect.gather [hbm4b:s3+s20], $0x80, s25, s20, $0xb8;
	[tilespmem:$0xAD00] =	vst v63  }
0x4d: {  	_ =	swait.ge [sflag:s26], $0x4000  }
0x4e: {  	s18 =	sadd.s32 $0x8000, s18;
	[sflag:s26] =	ssyncset.done $0x0  }
0x4f: {  	s29 =	sadd.s32 s29, s15;
	s25 =	sadd.s32 $0x100, s25;
	[sflag:s26] =	ssyncadd.s32 $0xFFFFC000  }
0x50: {  	[hbm4b:s29+s2] =	stream.linear.scatter [tilespmem:s23], [sflag:$0x4], $0x4000, $0x38;
	[tilespmem:$0xAD00] =	vst v63  }
0x51: {  	_ =	swait.ge [sflag:s22], $0x4000  }
0x52: {  	[sflag:s22] =	ssyncset.done $0x0  }
0x53: {  	[sflag:s22] =	ssyncadd.s32 $0xFFFFC000  }
0x54: {  	_ =	swait.ge [sflag:s28], $0x4000  }
0x55: {  	[sflag:s28] =	ssyncset.done $0x0  }
0x56: {  	s0 =	simm.s32 $0xB80;
	[sflag:s28] =	ssyncadd.s32 $0xFFFFC000  }
0x57: {  	[tilespmem:s23], [sflag:$0x2] =	stream.indirect.gather [hbm4b:s3+s20], $0x80, s0, s20, $0xb8;
	[tilespmem:$0xAD00] =	vst v63  }
0x58: {  	_ = 	snop  }
0x59: {  	[hbm4b:s12+s2] =	stream.linear.scatter [tilespmem:s21], [sflag:$0x3], $0x4000, $0x38;
	[tilespmem:$0xAD00] =	vst v63  }
0x5a: {  	_ =	swait.ge [sflag:s26], $0x4000  }
0x5b: {  	[sflag:s26] =	ssyncset.done $0x0  }
0x5c: {  	[sflag:s26] =	ssyncadd.s32 $0xFFFFC000  }
0x5d: {  	[hbm4b:s13+s2] =	stream.linear.scatter [tilespmem:s23], [sflag:$0x4], $0x4000, $0x38;
	[tilespmem:$0xAD00] =	vst v63  }
0x5e: {  	_ =	swait.ge [sflag:s24], $0x4000  }
0x5f: {  	[sflag:s24] =	ssyncset.done $0x0  }
0x60: {  	s30 =	simm.s32 $0xC00;
	[sflag:s24] =	ssyncadd.s32 $0xFFFFC000  }
0x61: {  	[tilespmem:s21], [sflag:$0x1] =	stream.indirect.gather [hbm4b:s3+s20], $0x80, s30, s20, $0xb8;
	[tilespmem:$0xAD00] =	vst v63  }
0x62: {  	_ =	swait.ge [sflag:s22], $0x4000  }
0x63: {  	[sflag:s22] =	ssyncset.done $0x0  }
0x64: {  	[sflag:s22] =	ssyncadd.s32 $0xFFFFC000  }
0x65: {  	[hbm4b:s8+s2] =	stream.linear.scatter [tilespmem:s21], [sflag:$0x3], $0x4000, $0x38;
	[tilespmem:$0xAD00] =	vst v63  }
0x66: {  	_ =	swait.ge [sflag:s24], $0x4000  }
0x67: {  	[sflag:s24] =	ssyncset.done $0x0  }
0x68: {  	[sflag:s24] =	ssyncadd.s32 $0xFFFFC000  }
0x69: {  	_ =	swait.ge [sflag:s28], $0x4000  }
0x6a: {  	[sflag:s28] =	ssyncset.done $0x0  }
0x6b: {  	[sflag:s28] =	ssyncadd.s32 $0xFFFFC000  }
0x6c: {  	s1 =	sadd.s32 $0x1, s1;
	_ =	swait.ge [sflag:s31], $0x2000  }
0x6d: {  	p0 =	sne.s32 s1, s10;
	[sflag:s31] =	ssyncset.done $0x0  }
.Ltmp1:
0x6e: {  	[sflag:s31] =	ssyncadd.s32 $0xFFFFE000;
	(pc) =	sbr.rel @p0 .LBB2_1-.Ltmp1, $4  }
0x6f: {  	[hbm4b:s9+s2] =	stream.linear.scatter [tilespmem:s19], [sflag:$0x6], $0x2000, $0x38;
	[tilespmem:$0xAD00] =	vst v63  }
0x70: {  	_ =	swait.ge [sflag:s16], $0x2000  }
0x71: {  	[sflag:s16] =	ssyncset.done $0x0  }
0x72: {  	[sflag:s16] =	ssyncadd.s32 $0xFFFFE000  }
0x73: {  	_ =	sfence.sel $0x180000  }
0x74: {  	[bflag:$0x0] =	sbarrier.arrive $0xFFFF  }
0x75: {  	_ =	strace $0x90000047  }
0x76: {  	s0 =	stileid.u32;
	[bflag:$0x2] =	sbarrier.arrive $0xFFFF  }
0x77: {  	p0 =	sne.s32 s0, $0x0;
	s0 =	rddreg [dreg:$0x1]  }
0x78: {  	s0 =	sadd.s32 @!p0 $0x100000, s0  }
0x79: {  	[sflag:s0] =	ssyncadd.tile.s32 @!p0 $0x1;
	_ =	shalt  }
.Lfunc_end2:
_tile_overlayer_lowered:
.L_overlay_start_2:
0x7a: {  	(tag) =	ssettag $0x2  }
0x7b: {  	s0 =	rddreg [dreg:$0x0];
	s2 =	stileid.u32  }
0x7c: {  	s1 =	rddreg [dreg:$0x1];
	p0 =	sne.s32 s2, $0x0  }
0x7d: {  	s3 =	rddreg [dreg:$0x2];
	[bflag:$0x3] =	sbarrier.arrive $0xFFFF;
	s2 =	simm.s32 @!p0 $0x1C06  }
0x7e: {  	[timem:s3], [sflag:s2] =	dma.local @!p0 [hbm:s0], s1  }
0x7f: {  	s0 =	simm.s32 @!p0 $0x6  }
0x80: {  	_ =	swait.ge @!p0 [sflag:s0], s1  }
0x81: {  	s1 =	ssub.s32 @!p0 $0x0, s1;
	[sflag:s0] =	ssyncset.done @!p0 $0x0  }
0x82: {  	[sflag:s0] =	ssyncadd.s32 @!p0 s1  }
0x83: {  	[bflag:$0x3] =	sbarrier.arrive $0xFFFF  }
0x84: {  	_ =	shalt  }

// kernel: kernel.7.cloned.1.call-start
scs
__scs_entry_jumppad:
0x0: {  	(pc) =	sbr.rel $0x88, $3  }
0x1: {  	(tag) =	ssettag $0x0;
	lr =	simm.s32 $0x1  }
0x2: {  	[smem:$0x3F91] =	sst lr;
	_ =	strace $0xD0000000  }
0x3: {  	_ = 	snop  }
0x4: {  	_ = 	snop  }
0x5: {  	_ = 	snop  }
0x6: {  	_ = 	snop  }
0x7: {  	_ = 	snop  }
__scs_overlays_trampoline_lowered:
0x8: {  	[smem:$0x3FA0] =	sst s0  }
0x9: {  	[smem:$0x3FA1] =	sst s1  }
0xa: {  	[smem:$0x3FA2] =	sst s2  }
0xb: {  	[smem:$0x3FA3] =	sst s3  }
0xc: {  	[smem:$0x3FA4] =	sst s4  }
0xd: {  	[smem:$0x3FA5] =	sst s5  }
0xe: {  	[smem:$0x3FA6] =	sst s6  }
0xf: {  	[smem:$0x3FA7] =	sst s7  }
0x10: {  	[smem:$0x3FA8] =	sst s8  }
0x11: {  	[smem:$0x3FA9] =	sst s9;
	s0 =	simm.s32 @!p0 $0x0  }
0x12: {  	s1 =	sld [smem:$0x3F8F];
	s0 =	simm.s32 @p0 $0x1  }
0x13: {  	[smem:$0x3FAA] =	sst s0;
	s0 =	simm.s32 @!p1 $0x0  }
0x14: {  	s2 =	sld [smem:$0x3F8E];
	s0 =	simm.s32 @p1 $0x1  }
0x15: {  	[smem:$0x3FAB] =	sst s0;
	s0 =	simm.s32 @!p2 $0x0  }
0x16: {  	s3 =	sld [smem:$0x3FDB];
	s0 =	simm.s32 @p2 $0x1  }
0x17: {  	s4 =	simm.s32 $0x1BF5;
	[smem:$0x3FAD] =	sst s0  }
0x18: {  	s0 =	sld [smem:$0x3F90];
	_ =	swait.ge [sflag:s4], $0x0  }
0x19: {  	s7 =	sld [smem:$0x3F91]  }
0x1a: {  	s8 =	sadd.s32 $0xFFFFE003, lr  }
0x1b: {  	s9 =	sadd.s32 $0xFFFFFEF7, lr;
	s5 =	simm.s32 $0xFFFFFFFF;
	p2 =	slt.u32 s8, $0xFFFFF086  }
0x1c: {  	p1 =	slt.u32 s9, $0xF7A;
	s5 =	simm.s32 @!p2 $0x0  }
0x1d: {  	s5 =	simm.s32 @p1 $0x1;
	p0 =	seq.s32 s7, s2  }
0x1e: {  	s7 =	smul.u32 @!p0 $0xF7A, s2;
	p2 =	seq.s32 @!p0 s5, $0x0  }
0x1f: {  	s9 =	smul.u32 $0xF7A, s1;
	s8 =	simm.s32 @!p0 $0x1BF5;
	p2 =	por !p2, p0  }
0x20: {  	[sflag:s8] =	ssyncset.s32 @!p0 $0xFFFFF086;
	s6 =	sadd.s32 @!p0 s3, s7;
	s7 =	simm.s32 @!p0 $0x108  }
0x21: {  	s3 =	sadd.s32 s3, s9;
	s6 =	sadd.s32 @!p0 $0x88, s6;
	s7 =	simm.s32 @p2 $0x1082  }
0x22: {  	[simem:s7], [sflag:s8] =	dma.local @!p0 [hbm:s6], $0xF7A  }
0x23: {  	s9 =	sor.u32 $0xD0000000, s2;
	s6 =	simm.s32 $0x108;
	_ =	swait.ge @!p0 [sflag:s8], $0x0  }
0x24: {  	s3 =	sadd.s32 $0x88, s3;
	s6 =	simm.s32 @!p1 $0x1082;
	[sflag:s4] =	ssyncset.s32 $0xFFFFF086  }
0x25: {  	[simem:s6], [sflag:s4] =	dma.local [hbm:s3], $0xF7A  }
0x26: {  	[smem:$0x3F91] =	sst s1;
	(tag) =	ssettag s2;
	_ =	strace s9  }
0x27: {  	s1 =	sld [smem:$0x3FA1]  }
0x28: {  	s2 =	sld [smem:$0x3FA2]  }
0x29: {  	s4 =	sld [smem:$0x3FA4]  }
0x2a: {  	p0 =	seq.s32 s5, $0x0;
	s5 =	sld [smem:$0x3FA5]  }
0x2b: {  	s6 =	sld [smem:$0x3FA6]  }
0x2c: {  	s7 =	sld [smem:$0x3FA7]  }
0x2d: {  	s3 =	simm.s32 $0x108;
	s8 =	sld [smem:$0x3FA8]  }
0x2e: {  	s3 =	simm.s32 @!p0 $0x1082;
	s9 =	sld [smem:$0x3FA9]  }
0x2f: {  	lr =	sadd.s32 s0, s3;
	s0 =	sld [smem:$0x3FA0]  }
0x30: {  	s3 =	sld [smem:$0x3FA3]  }
0x31: {  	[smem:$0x3FAC] =	sst s10  }
0x32: {  	s10 =	sld [smem:$0x3FAA];
	_ =	sdelay $0x3  }
0x33: {  	p0 =	seq.s32 s10, $0x1;
	s10 =	sld [smem:$0x3FAC];
	_ =	sdelay $0x3  }
0x34: {  	[smem:$0x3FAC] =	sst s10  }
0x35: {  	s10 =	sld [smem:$0x3FAB];
	_ =	sdelay $0x3  }
0x36: {  	p1 =	seq.s32 s10, $0x1;
	s10 =	sld [smem:$0x3FAC];
	_ =	sdelay $0x3  }
0x37: {  	[smem:$0x3FAC] =	sst s10  }
0x38: {  	s10 =	sld [smem:$0x3FAD]  }
0x39: {  	_ = 	snop;
	(pc) =	sbr.ind lr, $3  }
0x3a: {  	_ = 	snop  }
0x3b: {  	_ = 	snop  }
0x3c: {  	p2 =	seq.s32 s10, $0x1;
	s10 =	sld [smem:$0x3FAC]  }
0x3d: {  	_ =	shalt  }
0x3e: {  	_ =	shalt  }
0x3f: {  	_ =	shalt  }
0x40: {  	_ =	shalt  }
0x41: {  	_ =	shalt  }
0x42: {  	_ =	shalt  }
0x43: {  	_ =	shalt  }
0x44: {  	_ =	shalt  }
0x45: {  	_ =	shalt  }
0x46: {  	_ =	shalt  }
0x47: {  	_ =	shalt  }
0x48: {  	_ =	shalt  }
0x49: {  	_ =	shalt  }
0x4a: {  	_ =	shalt  }
0x4b: {  	_ =	shalt  }
0x4c: {  	_ =	shalt  }
0x4d: {  	_ =	shalt  }
0x4e: {  	_ =	shalt  }
0x4f: {  	_ =	shalt  }
0x50: {  	_ =	shalt  }
0x51: {  	_ =	shalt  }
0x52: {  	_ =	shalt  }
0x53: {  	_ =	shalt  }
0x54: {  	_ =	shalt  }
0x55: {  	_ =	shalt  }
0x56: {  	_ =	shalt  }
0x57: {  	_ =	shalt  }
0x58: {  	_ =	shalt  }
0x59: {  	_ =	shalt  }
0x5a: {  	_ =	shalt  }
0x5b: {  	_ =	shalt  }
0x5c: {  	_ =	shalt  }
0x5d: {  	_ =	shalt  }
0x5e: {  	_ =	shalt  }
0x5f: {  	_ =	shalt  }
0x60: {  	_ =	shalt  }
0x61: {  	_ =	shalt  }
0x62: {  	_ =	shalt  }
0x63: {  	_ =	shalt  }
0x64: {  	_ =	shalt  }
0x65: {  	_ =	shalt  }
0x66: {  	_ =	shalt  }
0x67: {  	_ =	shalt  }
0x68: {  	_ =	shalt  }
0x69: {  	_ =	shalt  }
0x6a: {  	_ =	shalt  }
0x6b: {  	_ =	shalt  }
0x6c: {  	_ =	shalt  }
0x6d: {  	_ =	shalt  }
0x6e: {  	_ =	shalt  }
0x6f: {  	_ =	shalt  }
0x70: {  	_ =	shalt  }
0x71: {  	_ =	shalt  }
0x72: {  	_ =	shalt  }
0x73: {  	_ =	shalt  }
0x74: {  	_ =	shalt  }
0x75: {  	_ =	shalt  }
0x76: {  	_ =	shalt  }
0x77: {  	_ =	shalt  }
0x78: {  	_ =	shalt  }
0x79: {  	_ =	shalt  }
0x7a: {  	_ =	shalt  }
0x7b: {  	_ =	shalt  }
0x7c: {  	_ =	shalt  }
0x7d: {  	_ =	shalt  }
0x7e: {  	_ =	shalt  }
0x7f: {  	_ =	shalt  }
0x80: {  	_ =	shalt  }
0x81: {  	_ =	shalt  }
0x82: {  	_ =	shalt  }
0x83: {  	_ =	shalt  }
0x84: {  	_ =	shalt  }
0x85: {  	_ =	shalt  }
0x86: {  	_ =	shalt  }
0x87: {  	_ =	shalt  }
.Lfunc_end0:
.L_simem_size_0:
called_computation_lowered:
.L_overlay_start_0:
0x88: {  	s2 =	sld [smem:$0x3FD9]  }
0x89: {  	s3 =	sld [smem:$0x3FFE];
	_ =	sdelay $0x1  }
0x8a: {  	s1 =	srdreg.scid  }
0x8b: {  	s0 =	sand.u32 $0x1, s1  }
0x8c: {  	s17 =	sshll.u32 s0, $0xA;
	s2 =	sadd.s32 s3, s2  }
0x8d: {  	s2 =	sadd.s32 s2, s17  }
0x8e: {  	[smem:$0x3FB8] =	sst s2  }
0x8f: {  	_ = 	snop  }
0x90: {  	s18 =	sld [smem:$0x3FD0];
	(tm) =	ssettm $0x1  }
0x91: {  	s19 =	sld [smem:$0x3FFB];
	_ =	sdelay $0x3  }
0x92: {  	_ =	strace s19  }
0x93: {  	s2 =	sld [smem:$0x3FFC];
	_ =	sdelay $0x3  }
0x94: {  	_ =	strace s2  }
0x95: {  	s2 =	sld [smem:$0x3FFD];
	_ =	sdelay $0x3  }
0x96: {  	_ =	strace s2  }
0x97: {  	_ =	strace $0x8FFFFFFF  }
0x98: {  	s20 =	sld [smem:$0x3FDB];
	_ =	sdelay $0x1  }
0x99: {  	s4 =	simm.s32 $_scs_section_size  }
0x9a: {  	s5 =	simm.s32 $_size__tile_overlayer_lowered;
	s6 =	simm.s32 $_tile_overlayer_lowered  }
0x9b: {  	s7 =	simm.s32 $0x1BFF;
	s21 =	sshll.u32 s6, $0x1;
	s4 =	sadd.s32 s4, s20  }
0x9c: {  	s22 =	simm.s32 $0x0;
	s5 =	sshll.u32 s5, $0x1;
	s6 =	sadd.s32 s21, s4  }
0x9d: {  	[timem:s22], [sflag:s7] =	dma.local [hbm:s6], s5  }
0x9e: {  	_ =	swait.ge [sflag:s7], s5  }
0x9f: {  	s5 =	ssub.s32 $0x0, s5;
	[sflag:s7] =	ssyncset.done $0x0  }
0xa0: {  	[sflag:s7] =	ssyncadd.s32 s5;
	_ =	sdelay $0x1  }
0xa1: {  	s23 =	simm.s32 $0x1B8B  }
0xa2: {  	_ =	swait.ge [sflag:s23], $0x1  }
0xa3: {  	[sflag:s23] =	ssyncset.done $0x0  }
0xa4: {  	[sflag:s23] =	ssyncadd.s32 $0xFFFFFFFF  }
0xa5: {  	s5 =	sld [smem:$0x0]  }
0xa6: {  	s6 =	sand.u32 $0xFFFFFFFE, s1  }
0xa7: {  	p0 =	sne.s32 s1, s6  }
0xa8: {  	s6 =	sshll.u32 @p0 s6, $0xE  }
0xa9: {  	s6 =	sadd.s32 @p0 $0x11B8D, s6;
	s7 =	sshll.u32 @p0 s5, $0x11  }
0xaa: {  	s6 =	sor.u32 @p0 s7, s6  }
0xab: {  	[sflag:s6] =	ssyncadd.remote.s32 @p0 $0x1;
	_ =	sdelay $0x1  }
0xac: {  	s6 =	simm.s32 @p0 $0x1B8D  }
0xad: {  	_ =	swait.eq @p0 [sflag:s6], $0x1  }
0xae: {  	[sflag:s6] =	ssyncadd.s32 @p0 $0xFFFFFFFF  }
0xaf: {  	s7 =	sshll.u32 @!p0 s1, $0xE  }
0xb0: {  	s7 =	sor.u32 @!p0 $0x4000, s7;
	s6 =	simm.s32 @!p0 $0x1B8D  }
0xb1: {  	s5 =	sshll.u32 @!p0 s5, $0x11;
	s7 =	sadd.s32 @!p0 $0x11B8D, s7;
	_ =	swait.eq @!p0 [sflag:s6], $0x1  }
0xb2: {  	s5 =	sor.u32 @!p0 s5, s7;
	[sflag:s6] =	ssyncadd.s32 @!p0 $0xFFFFFFFF  }
0xb3: {  	s25 =	simm.s32 $0x1B8E;
	s24 =	sld [smem:$0x3FFE];
	[sflag:s5] =	ssyncadd.remote.s32 @!p0 $0x1  }
0xb4: {  	s26 =	simm.s32 $execute0_lowered;
	[smem:$0x3FD2] =	sst s25  }
0xb5: {  	s6 =	sshll.u32 s26, $0x1;
	_ =	strace $0x80000049;
	[dreg:$0x1] =	wrdreg $0xFFFFFFFF  }
0xb6: {  	s28 =	simm.s32 $_size_execute0_lowered;
	s4 =	sadd.s32 s4, s6;
	[dreg:$0x0] =	wrdreg $0x0  }
0xb7: {  	s6 =	sshll.u32 s28, $0x1;
	[dreg:$0x2] =	wrdreg s4  }
0xb8: {  	[dreg:$0x3] =	wrdreg s6  }
0xb9: {  	[dreg:$0x4] =	wrdreg $0xC0  }
0xba: {  	_ =	task [dreg:s22], $0x5FFFF  }
0xbb: {  	[dreg:$0x1] =	wrdreg $0xFFFFFFFF  }
0xbc: {  	[dreg:$0x0] =	wrdreg $0x60  }
0xbd: {  	[dreg:$0x2] =	wrdreg s24  }
0xbe: {  	[dreg:$0x3] =	wrdreg s18  }
0xbf: {  	[dreg:$0x4] =	wrdreg $0x9  }
0xc0: {  	_ =	task.clear_ibuf [dreg:s22], $0x5FFFF;
	_ =	strace $0x90000049  }
0xc1: {  	s29 =	simm.s32 $0x9;
	_ =	strace $0x8000004B  }
0xc2: {  	_ =	swait.ge [sflag:s29], $0x1  }
0xc3: {  	[sflag:s29] =	ssyncadd.s32 $0xFFFFFFFF  }
0xc4: {  	_ =	strace $0x9000004B  }
0xc5: {  	_ =	sfence  }
0xc6: {  	s30 =	sld [smem:$0x0];
	_ =	sdelay $0x2  }
0xc7: {  	s31 =	sshll.u32 s1, $0xD;
	s1 =	sshrl.u32 s1, $0x2  }
0xc8: {  	s4 =	sand.u32 $0x4000, s31;
	s1 =	sadd.s32 s1, s30  }
0xc9: {  	s0 =	sor.u32 s4, s0;
	s1 =	sshll.u32 s1, $0x11  }
0xca: {  	s0 =	sor.u32 s1, s0  }
0xcb: {  	s0 =	sadd.s32 $0x8F2B, s0  }
0xcc: {  	[sflag:s0] =	ssyncadd.remote.s32 $0x1  }
0xcd: {  	_ =	sfence.sel $0xFFFF  }
0xce: {  	[dreg:$0x0] =	wrdreg $0xFFFFFFFF;
	(pc) =	sbr.abs _section_cstart, $3  }
0xcf: {  	[dreg:$0x1] =	wrdreg $0xFFFFFFFF  }
0xd0: {  	_ =	task.clear_ibuf [dreg:s22], $0x2FFFF;
	_ =	strace $0x9FFFFFFF  }
0xd1: {  	(tm) =	ssettm $0x7FFFFFFF  }
tec
execute0_lowered:
.L_overlay_start_1:
0x0: {  	(tag) =	ssettag $0x1  }
0x1: {  	s0 =	srdreg.scid;
	s1 =	rddreg [dreg:$0x0]  }
0x2: {  	s12 =	stileid.u32;
	s9 =	rddreg [dreg:$0x1]  }
0x3: {  	s17 =	simm.s32 $0xC80;
	s19 =	simm.s32 $0x8D00;
	s14 =	smul.u32 $0xC8000, s12  }
0x4: {  	s20 =	simm.s32 $0x80;
	s0 =	sand.u32 $0x1, s0;
	s16 =	smul.u32 $0x19000, s12  }
0x5: {  	s28 =	simm.s32 $0x4;
	s2 =	sshll.u32 s12, $0x1;
	s15 =	smul.u32 $0x64000, s0  }
0x6: {  	s8 =	sor.u32 s0, s2;
	s6 =	ssub.s32 $0x2, s0;
	s0 =	smul.u32 $0xC800, s0  }
0x7: {  	s31 =	simm.s32 $0x5;
	s2 =	simm.s32 $0x0;
	s4 =	smul.u32 $0xC80, s8  }
0x8: {  	s3 =	sadd.s32 $0x6A00, s1;
	[smem:$0x7FF] =	sst s2;
	s11 =	smul.u32 $0x64000, s8  }
0x9: {  	s21 =	sshll.u32 s8, $0x3;
	s10 =	sshrl.u32 s6, $0x1;
	s24 =	smul.u32 $0xC800, s8  }
0xa: {  	s25 =	sshll.u32 s8, $0xA;
	_ =	strace $0x8000004A;
	s7 =	sadd.s32 s21, s1  }
0xb: {  	s22 =	ssub.s32 s6, s10;
	s9 =	sadd.s32 s9, s25;
	s29 =	sadd.s32 s15, s14  }
0xc: {  	s21 =	simm.s32 $0xD00;
	s4 =	sshrl.u32 s4, $0x3;
	s6 =	sadd.s32 $0x3600, s7  }
0xd: {  	s23 =	sshrl.u32 s11, $0x3;
	s10 =	smax.u32 s22, $0x1;
	s14 =	sadd.s32 $0x8000, s29  }
0xe: {  	s22 =	simm.s32 $0x1;
	s5 =	sadd.s32 s4, s1;
	s4 =	sadd.s32 $0x328600, s1  }
0xf: {  	s1 =	simm.s32 $0x0;
	s5 =	sadd.s32 $0x325400, s5;
	s7 =	sadd.s32 s4, s23  }
0x10: {  	s26 =	sadd.s32 s4, s24;
	s30 =	sadd.s32 s16, s4;
	s16 =	simm.s32 $0x6  }
0x11: {  	s23 =	simm.s32 $0x4D00;
	s24 =	simm.s32 $0x3;
	[dreg:$0x3] =	wrdreg s5  }
0x12: {  	s8 =	sadd.s32 $0xC000, s7;
	s11 =	sadd.s32 $0x800, s26;
	s12 =	sadd.s32 $0xB000, s7  }
0x13: {  	s13 =	sadd.s32 $0xB800, s26;
	s15 =	sadd.s32 s0, s30;
	s26 =	simm.s32 $0x2  }
.LBB2_1:
0x14: {  	s0 =	rddreg [dreg:$0x3]  }
0x15: {  	[tilespmem:s2], [sflag:$0x6] =	stream.linear.gather [hbm4b:s0+s2], $0xC80, $0x38;
	[tilespmem:$0xAD00] =	vst v63  }
0x16: {  	_ =	swait.ge [sflag:s16], $0xC80  }
0x17: {  	[sflag:s16] =	ssyncset.done $0x0  }
0x18: {  	[sflag:s16] =	ssyncadd.s32 $0xFFFFF380  }
0x19: {  	[tilespmem:s17], [sflag:$0x6] =	stream.linear.gather [hbm4b:s6+s2], $0x40, $0x38;
	[tilespmem:$0xAD00] =	vst v63  }
0x1a: {  	_ =	swait.ge [sflag:s16], $0x40  }
0x1b: {  	[sflag:s16] =	ssyncset.done $0x0  }
0x1c: {  	s25 =	simm.s32 $0x40;
	[sflag:s16] =	ssyncadd.s32 $0xFFFFFFC0  }
0x1d: {  	[tilespmem:s19], [sflag:$0x5] =	stream.indirect.gather [hbm4b:s3+s25], $0x80, s17, s25, $0xb8;
	[tilespmem:$0xAD00] =	vst v63  }
0x1e: {  	_ = 	snop  }
0x1f: {  	[tilespmem:s21], [sflag:$0x1] =	stream.indirect.gather [hbm4b:s3+s20], $0x80, s2, s20, $0xb8;
	[tilespmem:$0xAD00] =	vst v63  }
0x20: {  	_ =	swait.ge [sflag:s22], $0x4000  }
0x21: {  	[sflag:s22] =	ssyncset.done $0x0  }
0x22: {  	[sflag:s22] =	ssyncadd.s32 $0xFFFFC000  }
0x23: {  	[tilespmem:s23], [sflag:$0x2] =	stream.indirect.gather [hbm4b:s3+s20], $0x80, s20, s20, $0xb8;
	[tilespmem:$0xAD00] =	vst v63  }
0x24: {  	_ = 	snop  }
0x25: {  	[hbm4b:s7+s2] =	stream.linear.scatter [tilespmem:s21], [sflag:$0x3], $0x4000, $0x38;
	[tilespmem:$0xAD00] =	vst v63  }
0x26: {  	_ =	swait.ge [sflag:s24], $0x4000  }
0x27: {  	[sflag:s24] =	ssyncset.done $0x0  }
0x28: {  	s30 =	simm.s32 $0x100;
	[sflag:s24] =	ssyncadd.s32 $0xFFFFC000  }
0x29: {  	[tilespmem:s21], [sflag:$0x1] =	stream.indirect.gather [hbm4b:s3+s20], $0x80, s30, s20, $0xb8;
	[tilespmem:$0xAD00] =	vst v63  }
0x2a: {  	_ =	swait.ge [sflag:s26], $0x4000  }
0x2b: {  	[sflag:s26] =	ssyncset.done $0x0  }
0x2c: {  	[sflag:s26] =	ssyncadd.s32 $0xFFFFC000  }
0x2d: {  	[hbm4b:s11+s2] =	stream.linear.scatter [tilespmem:s23], [sflag:$0x4], $0x4000, $0x38;
	[tilespmem:$0xAD00] =	vst v63  }
0x2e: {  	_ =	swait.ge [sflag:s22], $0x4000  }
0x2f: {  	[sflag:s22] =	ssyncset.done $0x0  }
0x30: {  	[sflag:s22] =	ssyncadd.s32 $0xFFFFC000  }
0x31: {  	_ =	swait.ge [sflag:s28], $0x4000  }
0x32: {  	[sflag:s28] =	ssyncset.done $0x0  }
0x33: {  	s5 =	simm.s32 $0x180;
	s18 =	sshrl.u32 s14, $0x3;
	[sflag:s28] =	ssyncadd.s32 $0xFFFFC000  }
0x34: {  	[tilespmem:s23], [sflag:$0x2] =	stream.indirect.gather [hbm4b:s3+s20], $0x80, s5, s20, $0xb8;
	[tilespmem:$0xAD00] =	vst v63  }
0x35: {  	s25 =	sadd.s32 s4, s18  }
0x36: {  	[hbm4b:s25+s2] =	stream.linear.scatter [tilespmem:s21], [sflag:$0x3], $0x4000, $0x38;
	[tilespmem:$0xAD00] =	vst v63  }
0x37: {  	_ =	swait.ge [sflag:s24], $0x4000  }
0x38: {  	[sflag:s24] =	ssyncset.done $0x0  }
0x39: {  	s30 =	simm.s32 $0x200;
	[sflag:s24] =	ssyncadd.s32 $0xFFFFC000  }
0x3a: {  	[tilespmem:s21], [sflag:$0x1] =	stream.indirect.gather [hbm4b:s3+s20], $0x80, s30, s20, $0xb8;
	[tilespmem:$0xAD00] =	vst v63  }
0x3b: {  	_ =	swait.ge [sflag:s26], $0x4000  }
0x3c: {  	s29 =	sadd.s32 $0x1800, s15;
	s0 =	simm.s32 $0x2800;
	[sflag:s26] =	ssyncset.done $0x0  }
0x3d: {  	s18 =	sadd.s32 $0x8000, s14;
	s25 =	simm.s32 $0x300;
	[sflag:s26] =	ssyncadd.s32 $0xFFFFC000  }
.LBB2_2:
0x3e: {  	[hbm4b:s29+s2] =	stream.linear.scatter [tilespmem:s23], [sflag:$0x4], $0x4000, $0x38;
	[tilespmem:$0xAD00] =	vst v63  }
0x3f: {  	s29 =	smov.u32 s0  }
0x40: {  	p0 =	sne.s32 s0, $0xA800;
	s0 =	sadd.s32 $0x1000, s0;
	_ =	swait.ge [sflag:s22], $0x4000  }
0x41: {  	[sflag:s22] =	ssyncset.done $0x0  }
0x42: {  	[sflag:s22] =	ssyncadd.s32 $0xFFFFC000  }
0x43: {  	_ =	swait.ge [sflag:s28], $0x4000  }
0x44: {  	[sflag:s28] =	ssyncset.done $0x0  }
0x45: {  	s30 =	sadd.s32 $0xFFFFFF80, s25;
	s5 =	sshrl.u32 s18, $0x3;
	[sflag:s28] =	ssyncadd.s32 $0xFFFFC000  }
0x46: {  	[tilespmem:s23], [sflag:$0x2] =	stream.indirect.gather [hbm4b:s3+s20], $0x80, s30, s20, $0xb8;
	[tilespmem:$0xAD00] =	vst v63  }
0x47: {  	s5 =	sadd.s32 s4, s5  }
0x48: {  	[hbm4b:s5+s2] =	stream.linear.scatter [tilespmem:s21], [sflag:$0x3], $0x4000, $0x38;
	[tilespmem:$0xAD00] =	vst v63  }
0x49: {  	_ =	swait.ge [sflag:s24], $0x4000  }
0x4a: {  	[sflag:s24] =	ssyncset.done $0x0  }
.Ltmp0:
0x4b: {  	[sflag:s24] =	ssyncadd.s32 $0xFFFFC000;
	(pc) =	sbr.rel @p0 .LBB2_2-.Ltmp0, $4  }
0x4c: {  	[tilespmem:s21], [sflag:$0x1] =	stream.indirect.gather [hbm4b:s3+s20], $0x80, s25, s20, $0xb8;
	[tilespmem:$0xAD00] =	vst v63  }
0x4d: {  	_ =	swait.ge [sflag:s26], $0x4000  }
0x4e: {  	s18 =	sadd.s32 $0x8000, s18;
	[sflag:s26] =	ssyncset.done $0x0  }
0x4f: {  	s29 =	sadd.s32 s29, s15;
	s25 =	sadd.s32 $0x100, s25;
	[sflag:s26] =	ssyncadd.s32 $0xFFFFC000  }
0x50: {  	[hbm4b:s29+s2] =	stream.linear.scatter [tilespmem:s23], [sflag:$0x4], $0x4000, $0x38;
	[tilespmem:$0xAD00] =	vst v63  }
0x51: {  	_ =	swait.ge [sflag:s22], $0x4000  }
0x52: {  	[sflag:s22] =	ssyncset.done $0x0  }
0x53: {  	[sflag:s22] =	ssyncadd.s32 $0xFFFFC000  }
0x54: {  	_ =	swait.ge [sflag:s28], $0x4000  }
0x55: {  	[sflag:s28] =	ssyncset.done $0x0  }
0x56: {  	s0 =	simm.s32 $0xB80;
	[sflag:s28] =	ssyncadd.s32 $0xFFFFC000  }
0x57: {  	[tilespmem:s23], [sflag:$0x2] =	stream.indirect.gather [hbm4b:s3+s20], $0x80, s0, s20, $0xb8;
	[tilespmem:$0xAD00] =	vst v63  }
0x58: {  	_ = 	snop  }
0x59: {  	[hbm4b:s12+s2] =	stream.linear.scatter [tilespmem:s21], [sflag:$0x3], $0x4000, $0x38;
	[tilespmem:$0xAD00] =	vst v63  }
0x5a: {  	_ =	swait.ge [sflag:s26], $0x4000  }
0x5b: {  	[sflag:s26] =	ssyncset.done $0x0  }
0x5c: {  	[sflag:s26] =	ssyncadd.s32 $0xFFFFC000  }
0x5d: {  	[hbm4b:s13+s2] =	stream.linear.scatter [tilespmem:s23], [sflag:$0x4], $0x4000, $0x38;
	[tilespmem:$0xAD00] =	vst v63  }
0x5e: {  	_ =	swait.ge [sflag:s24], $0x4000  }
0x5f: {  	[sflag:s24] =	ssyncset.done $0x0  }
0x60: {  	s30 =	simm.s32 $0xC00;
	[sflag:s24] =	ssyncadd.s32 $0xFFFFC000  }
0x61: {  	[tilespmem:s21], [sflag:$0x1] =	stream.indirect.gather [hbm4b:s3+s20], $0x80, s30, s20, $0xb8;
	[tilespmem:$0xAD00] =	vst v63  }
0x62: {  	_ =	swait.ge [sflag:s22], $0x4000  }
0x63: {  	[sflag:s22] =	ssyncset.done $0x0  }
0x64: {  	[sflag:s22] =	ssyncadd.s32 $0xFFFFC000  }
0x65: {  	[hbm4b:s8+s2] =	stream.linear.scatter [tilespmem:s21], [sflag:$0x3], $0x4000, $0x38;
	[tilespmem:$0xAD00] =	vst v63  }
0x66: {  	_ =	swait.ge [sflag:s24], $0x4000  }
0x67: {  	[sflag:s24] =	ssyncset.done $0x0  }
0x68: {  	[sflag:s24] =	ssyncadd.s32 $0xFFFFC000  }
0x69: {  	_ =	swait.ge [sflag:s28], $0x4000  }
0x6a: {  	[sflag:s28] =	ssyncset.done $0x0  }
0x6b: {  	[sflag:s28] =	ssyncadd.s32 $0xFFFFC000  }
0x6c: {  	s1 =	sadd.s32 $0x1, s1;
	_ =	swait.ge [sflag:s31], $0x2000  }
0x6d: {  	p0 =	sne.s32 s1, s10;
	[sflag:s31] =	ssyncset.done $0x0  }
.Ltmp1:
0x6e: {  	[sflag:s31] =	ssyncadd.s32 $0xFFFFE000;
	(pc) =	sbr.rel @p0 .LBB2_1-.Ltmp1, $4  }
0x6f: {  	[hbm4b:s9+s2] =	stream.linear.scatter [tilespmem:s19], [sflag:$0x6], $0x2000, $0x38;
	[tilespmem:$0xAD00] =	vst v63  }
0x70: {  	_ =	swait.ge [sflag:s16], $0x2000  }
0x71: {  	[sflag:s16] =	ssyncset.done $0x0  }
0x72: {  	[sflag:s16] =	ssyncadd.s32 $0xFFFFE000  }
0x73: {  	_ =	sfence.sel $0x180000  }
0x74: {  	[bflag:$0x0] =	sbarrier.arrive $0xFFFF  }
0x75: {  	_ =	strace $0x9000004A  }
0x76: {  	s0 =	stileid.u32;
	[bflag:$0x2] =	sbarrier.arrive $0xFFFF  }
0x77: {  	p0 =	sne.s32 s0, $0x0;
	s0 =	rddreg [dreg:$0x2]  }
0x78: {  	s0 =	sadd.s32 @!p0 $0x100000, s0  }
0x79: {  	[sflag:s0] =	ssyncadd.tile.s32 @!p0 $0x1;
	_ =	shalt  }
.Lfunc_end2:
_tile_overlayer_lowered:
.L_overlay_start_2:
0x7a: {  	(tag) =	ssettag $0x2  }
0x7b: {  	s0 =	rddreg [dreg:$0x0];
	s2 =	stileid.u32  }
0x7c: {  	s1 =	rddreg [dreg:$0x1];
	p0 =	sne.s32 s2, $0x0  }
0x7d: {  	s3 =	rddreg [dreg:$0x2];
	[bflag:$0x3] =	sbarrier.arrive $0xFFFF;
	s2 =	simm.s32 @!p0 $0x1C06  }
0x7e: {  	[timem:s3], [sflag:s2] =	dma.local @!p0 [hbm:s0], s1  }
0x7f: {  	s0 =	simm.s32 @!p0 $0x6  }
0x80: {  	_ =	swait.ge @!p0 [sflag:s0], s1  }
0x81: {  	s1 =	ssub.s32 @!p0 $0x0, s1;
	[sflag:s0] =	ssyncset.done @!p0 $0x0  }
0x82: {  	[sflag:s0] =	ssyncadd.s32 @!p0 s1  }
0x83: {  	[bflag:$0x3] =	sbarrier.arrive $0xFFFF  }
0x84: {  	_ =	shalt  }

</sc_bundles>
